<compile_context>
chip_gen: v7x
topology: tpu7x:2x2x1
jax: 0.10.2.dev20260603
libtpu: 0.0.44.dev20260713+nightly
codegen_flags: <defaults>
</compile_context>

<pallas_src>
import functools

import jax
import jax.numpy as jnp
from jax import lax
from jax.experimental import pallas as pl
from jax.experimental.pallas import tpu as pltpu
from jax.experimental.pallas import tpu_sc as plsc

_VOCAB = 100000
_D = 128
_B = 4096 * 20

_INFO = plsc.get_sparse_core_info()
_NC = _INFO.num_cores
_NS = _INFO.num_subcores
_NW = _NC * _NS
_B_PER_W = _B // _NW
_CHUNK = 128
_N_CHUNKS = _B_PER_W // _CHUNK
_GROUP = 2
_N_MACRO = _N_CHUNKS // _GROUP
_NBUF = 3
_AHEAD = 2


def _make_gather():
    mesh = plsc.VectorSubcoreMesh(core_axis_name="c", subcore_axis_name="s")

    @functools.partial(
        pl.kernel,
        mesh=mesh,
        out_type=jax.ShapeDtypeStruct((_B, _D), jnp.float32),
        scratch_types=[
            pltpu.VMEM((_N_CHUNKS, _CHUNK), jnp.int32),
            pltpu.VMEM((_NBUF, _GROUP * _CHUNK, _D), jnp.float32),
        ]
        + [pltpu.SemaphoreType.DMA] * (2 * _NBUF),
    )
    def gather_kernel(
        table_hbm, idx_hbm, out_hbm, idx_v, rows_v,
        g0, g1, g2, w0, w1, w2,
    ):
        wid = lax.axis_index("s") * _NC + lax.axis_index("c")
        base = wid * _B_PER_W
        pltpu.sync_copy(idx_hbm.at[wid], idx_v)

        gsems = (g0, g1, g2)
        wsems = (w0, w1, w2)

        def gather(m):
            b = m % _NBUF
            return [
                pltpu.async_copy(
                    table_hbm.at[idx_v.at[m * _GROUP + g]],
                    rows_v.at[b, pl.ds(g * _CHUNK, _CHUNK)],
                    gsems[b],
                )
                for g in range(_GROUP)
            ]

        def write(m):
            b = m % _NBUF
            return pltpu.async_copy(
                rows_v.at[b],
                out_hbm.at[pl.ds(base + m * _GROUP * _CHUNK, _GROUP * _CHUNK)],
                wsems[b],
            )

        gh = [None] * _N_MACRO
        wh = [None] * _N_MACRO
        for m in range(_AHEAD):
            gh[m] = gather(m)
        for m in range(_N_MACRO):
            nxt = m + _AHEAD
            if nxt < _N_MACRO:
                prev_write = nxt - _NBUF
                if prev_write >= 0:
                    wh[prev_write].wait()
                gh[nxt] = gather(nxt)
            for h in gh[m]:
                h.wait()
            wh[m] = write(m)
        for m in range(max(0, _N_MACRO - _NBUF), _N_MACRO):
            if wh[m] is not None:
                wh[m].wait()

    return gather_kernel


_GATHER = _make_gather()


@jax.jit
def kernel(text_encodings, lm_head_weight):
    b, s = text_encodings.shape
    idx = text_encodings.T.astype(jnp.int32).reshape(_NW, _N_CHUNKS, _CHUNK)
    out = _GATHER(lm_head_weight, idx)
    return out.reshape(s, b, _D).transpose(1, 0, 2)

# --- scband reference (transcript-rebuilt; emitter-appended) ---
"""Pipeline reference for scband-ripor-21526376088113 (READ-ONLY COPY).

The authoritative reference and input builder live on the scoring server;
editing this copy changes nothing except your own understanding.
"""

import jax, jax.numpy as jnp
import numpy as np

VOCAB = 100000
D_MODEL = 128
BATCH = 4096
SMTID_LEN = 20

def setup_inputs(seed: int = 0) -> dict:
    key = jax.random.key(seed)
    k1, k2 = jax.random.split(key)
    text_encodings = jax.random.randint(k1, (BATCH, SMTID_LEN), 0, VOCAB, dtype=jnp.int64 if jax.config.jax_enable_x64 else jnp.int32)
    lm_head_weight = jax.random.normal(k2, (VOCAB, D_MODEL), dtype=jnp.float32) * 0.02
    return {"text_encodings": text_encodings, "lm_head_weight": lm_head_weight}

def reference(text_encodings, lm_head_weight):
    # Ripor.decode: torch.nn.functional.embedding(text_encodings, lm_head.weight)
    # -> gather rows of the lm_head weight table.
    text_embeds = jnp.take(lm_head_weight, text_encodings, axis=0)
    return text_embeds

if __name__ == "__main__":
    import jax
    _d = setup_inputs()
    print(jax.jit(kernel)(*tuple(_d.values())))

</pallas_src>

<mosaic_0001>
#map = affine_map<(d0, d1) -> (0, 0)>
#map1 = affine_map<(d0, d1) -> (0, 0, 0)>
module attributes {stable_mosaic.version = 14 : i64} {
  func.func @gather_kernel(%arg0: i32, %arg1: i32, %arg2: memref<100000x128xf32, #tpu.memory_space<hbm>>, %arg3: memref<32x20x128xi32, #tpu.memory_space<hbm>>, %arg4: memref<81920x128xf32, #tpu.memory_space<hbm>>, %arg5: memref<20x128xi32, #tpu.memory_space<vmem>>, %arg6: memref<3x256x128xf32, #tpu.memory_space<vmem>>, %arg7: memref<!tpu.dma_semaphore, #tpu.memory_space<semaphore_mem>>, %arg8: memref<!tpu.dma_semaphore, #tpu.memory_space<semaphore_mem>>, %arg9: memref<!tpu.dma_semaphore, #tpu.memory_space<semaphore_mem>>, %arg10: memref<!tpu.dma_semaphore, #tpu.memory_space<semaphore_mem>>, %arg11: memref<!tpu.dma_semaphore, #tpu.memory_space<semaphore_mem>>, %arg12: memref<!tpu.dma_semaphore, #tpu.memory_space<semaphore_mem>>) attributes {dimension_semantics = [#tpu.dimension_semantics<core_parallel>, #tpu.dimension_semantics<subcore_parallel>], iteration_bounds = array<i64: 2, 16>, scalar_prefetch = 0 : i64, scratch_operands = 8 : i64, tpu.core_type = #tpu.core_type<sc_vector_subcore>, window_params = [{transform_indices = #map}, {transform_indices = #map1}, {transform_indices = #map}]} {
    %mul3A = arith.constant 2 : i32
    %mul3A_0 = arith.muli %arg1, %mul3A : i32
    %add3A = arith.addi %mul3A_0, %arg0 : i32
    %mul3A_1 = arith.constant 2560 : i32
    %mul3A_2 = arith.muli %add3A, %mul3A_1 : i32
    "tpu.region"() ({
      %run_scoped3A = tpu.sem_alloc : memref<!tpu.dma_semaphore, #tpu.memory_space<semaphore_mem>>
      %dma_start3A_761 = arith.constant 0 : i32
      %dma_start3A_762 = arith.constant 0 : i32
      %dma_start3A_763 = tpu.memref_slice %arg3[%add3A, %dma_start3A_761, %dma_start3A_762] : memref<32x20x128xi32, #tpu.memory_space<hbm>> -> memref<1x20x128xi32, #tpu.memory_space<hbm>>
      %dma_start3A_764 = tpu.memref_squeeze %dma_start3A_763 : memref<1x20x128xi32, #tpu.memory_space<hbm>> -> memref<20x128xi32, #tpu.memory_space<hbm>>
      %dma_start3A_765 = arith.constant 0 : i32
      %dma_start3A_766 = arith.constant 0 : i32
      %dma_start3A_767 = tpu.memref_slice %arg3[%add3A, %dma_start3A_765, %dma_start3A_766] : memref<32x20x128xi32, #tpu.memory_space<hbm>> -> memref<1x20x128xi32, #tpu.memory_space<hbm>>
      %dma_start3A_768 = tpu.memref_squeeze %dma_start3A_767 : memref<1x20x128xi32, #tpu.memory_space<hbm>> -> memref<20x128xi32, #tpu.memory_space<hbm>>
      tpu.enqueue_dma source(%dma_start3A_768 : memref<20x128xi32, #tpu.memory_space<hbm>>) target(%arg5 : memref<20x128xi32, #tpu.memory_space<vmem>>) target_semaphore(%run_scoped3A : memref<!tpu.dma_semaphore, #tpu.memory_space<semaphore_mem>>)
      %dma_wait3A_769 = arith.constant 0 : i32
      %dma_wait3A_770 = arith.constant 0 : i32
      %dma_wait3A_771 = tpu.memref_slice %arg3[%add3A, %dma_wait3A_769, %dma_wait3A_770] : memref<32x20x128xi32, #tpu.memory_space<hbm>> -> memref<1x20x128xi32, #tpu.memory_space<hbm>>
      %dma_wait3A_772 = tpu.memref_squeeze %dma_wait3A_771 : memref<1x20x128xi32, #tpu.memory_space<hbm>> -> memref<20x128xi32, #tpu.memory_space<hbm>>
      %dma_wait3A_773 = arith.constant 0 : i32
      %dma_wait3A_774 = arith.constant 0 : i32
      %dma_wait3A_775 = tpu.memref_slice %arg3[%add3A, %dma_wait3A_773, %dma_wait3A_774] : memref<32x20x128xi32, #tpu.memory_space<hbm>> -> memref<1x20x128xi32, #tpu.memory_space<hbm>>
      %dma_wait3A_776 = tpu.memref_squeeze %dma_wait3A_775 : memref<1x20x128xi32, #tpu.memory_space<hbm>> -> memref<20x128xi32, #tpu.memory_space<hbm>>
      tpu.wait_dma2 semaphore(%run_scoped3A : memref<!tpu.dma_semaphore, #tpu.memory_space<semaphore_mem>>) src(%dma_wait3A_776 : memref<20x128xi32, #tpu.memory_space<hbm>>) dst(%arg5 : memref<20x128xi32, #tpu.memory_space<vmem>>)
      tpu.yield
    }) : () -> ()
    %dma_start3A = arith.constant 0 : i32
    %dma_start3A_3 = arith.constant 0 : i32
    %dma_start3A_4 = arith.constant 0 : i32
    %dma_start3A_5 = arith.constant 0 : i32
    %dma_start3A_6 = tpu.memref_slice %arg6[%dma_start3A_3, %dma_start3A_4, %dma_start3A_5] : memref<3x256x128xf32, #tpu.memory_space<vmem>> -> memref<1x128x128xf32, #tpu.memory_space<vmem>>
    %dma_start3A_7 = tpu.memref_squeeze %dma_start3A_6 : memref<1x128x128xf32, #tpu.memory_space<vmem>> -> memref<128x128xf32, #tpu.memory_space<vmem>>
    %dma_start3A_8 = arith.constant 0 : i32
    %dma_start3A_9 = tpu.memref_slice %arg5[%dma_start3A, %dma_start3A_8] : memref<20x128xi32, #tpu.memory_space<vmem>> -> memref<1x128xi32, #tpu.memory_space<vmem>>
    %dma_start3A_10 = tpu.memref_squeeze %dma_start3A_9 : memref<1x128xi32, #tpu.memory_space<vmem>> -> memref<128xi32, #tpu.memory_space<vmem>>
    %dma_start3A_11 = arith.constant 0 : i32
    %dma_start3A_12 = arith.constant 0 : i32
    %dma_start3A_13 = tpu.memref_slice %arg2[%dma_start3A_11, %dma_start3A_12] : memref<100000x128xf32, #tpu.memory_space<hbm>> -> memref<100000x128xf32, #tpu.memory_space<hbm>>
    tpu.enqueue_indirect_dma source(%dma_start3A_13 : memref<100000x128xf32, #tpu.memory_space<hbm>>) target(%dma_start3A_7 : memref<128x128xf32, #tpu.memory_space<vmem>>) offsets(%dma_start3A_10 : memref<128xi32, #tpu.memory_space<vmem>>) semaphore(%arg7 : memref<!tpu.dma_semaphore, #tpu.memory_space<semaphore_mem>>)
    %dma_start3A_14 = arith.constant 1 : i32
    %dma_start3A_15 = arith.constant 0 : i32
    %dma_start3A_16 = arith.constant 128 : i32
    %dma_start3A_17 = arith.constant 0 : i32
    %dma_start3A_18 = tpu.memref_slice %arg6[%dma_start3A_15, %dma_start3A_16, %dma_start3A_17] : memref<3x256x128xf32, #tpu.memory_space<vmem>> -> memref<1x128x128xf32, #tpu.memory_space<vmem>>
    %dma_start3A_19 = tpu.memref_squeeze %dma_start3A_18 : memref<1x128x128xf32, #tpu.memory_space<vmem>> -> memref<128x128xf32, #tpu.memory_space<vmem>>
    %dma_start3A_20 = arith.constant 0 : i32
    %dma_start3A_21 = tpu.memref_slice %arg5[%dma_start3A_14, %dma_start3A_20] : memref<20x128xi32, #tpu.memory_space<vmem>> -> memref<1x128xi32, #tpu.memory_space<vmem>>
    %dma_start3A_22 = tpu.memref_squeeze %dma_start3A_21 : memref<1x128xi32, #tpu.memory_space<vmem>> -> memref<128xi32, #tpu.memory_space<vmem>>
    %dma_start3A_23 = arith.constant 0 : i32
    %dma_start3A_24 = arith.constant 0 : i32
    %dma_start3A_25 = tpu.memref_slice %arg2[%dma_start3A_23, %dma_start3A_24] : memref<100000x128xf32, #tpu.memory_space<hbm>> -> memref<100000x128xf32, #tpu.memory_space<hbm>>
    tpu.enqueue_indirect_dma source(%dma_start3A_25 : memref<100000x128xf32, #tpu.memory_space<hbm>>) target(%dma_start3A_19 : memref<128x128xf32, #tpu.memory_space<vmem>>) offsets(%dma_start3A_22 : memref<128xi32, #tpu.memory_space<vmem>>) semaphore(%arg7 : memref<!tpu.dma_semaphore, #tpu.memory_space<semaphore_mem>>)
    %dma_start3A_26 = arith.constant 2 : i32
    %dma_start3A_27 = arith.constant 1 : i32
    %dma_start3A_28 = arith.constant 0 : i32
    %dma_start3A_29 = arith.constant 0 : i32
    %dma_start3A_30 = tpu.memref_slice %arg6[%dma_start3A_27, %dma_start3A_28, %dma_start3A_29] : memref<3x256x128xf32, #tpu.memory_space<vmem>> -> memref<1x128x128xf32, #tpu.memory_space<vmem>>
    %dma_start3A_31 = tpu.memref_squeeze %dma_start3A_30 : memref<1x128x128xf32, #tpu.memory_space<vmem>> -> memref<128x128xf32, #tpu.memory_space<vmem>>
    %dma_start3A_32 = arith.constant 0 : i32
    %dma_start3A_33 = tpu.memref_slice %arg5[%dma_start3A_26, %dma_start3A_32] : memref<20x128xi32, #tpu.memory_space<vmem>> -> memref<1x128xi32, #tpu.memory_space<vmem>>
    %dma_start3A_34 = tpu.memref_squeeze %dma_start3A_33 : memref<1x128xi32, #tpu.memory_space<vmem>> -> memref<128xi32, #tpu.memory_space<vmem>>
    %dma_start3A_35 = arith.constant 0 : i32
    %dma_start3A_36 = arith.constant 0 : i32
    %dma_start3A_37 = tpu.memref_slice %arg2[%dma_start3A_35, %dma_start3A_36] : memref<100000x128xf32, #tpu.memory_space<hbm>> -> memref<100000x128xf32, #tpu.memory_space<hbm>>
    tpu.enqueue_indirect_dma source(%dma_start3A_37 : memref<100000x128xf32, #tpu.memory_space<hbm>>) target(%dma_start3A_31 : memref<128x128xf32, #tpu.memory_space<vmem>>) offsets(%dma_start3A_34 : memref<128xi32, #tpu.memory_space<vmem>>) semaphore(%arg8 : memref<!tpu.dma_semaphore, #tpu.memory_space<semaphore_mem>>)
    %dma_start3A_38 = arith.constant 3 : i32
    %dma_start3A_39 = arith.constant 1 : i32
    %dma_start3A_40 = arith.constant 128 : i32
    %dma_start3A_41 = arith.constant 0 : i32
    %dma_start3A_42 = tpu.memref_slice %arg6[%dma_start3A_39, %dma_start3A_40, %dma_start3A_41] : memref<3x256x128xf32, #tpu.memory_space<vmem>> -> memref<1x128x128xf32, #tpu.memory_space<vmem>>
    %dma_start3A_43 = tpu.memref_squeeze %dma_start3A_42 : memref<1x128x128xf32, #tpu.memory_space<vmem>> -> memref<128x128xf32, #tpu.memory_space<vmem>>
    %dma_start3A_44 = arith.constant 0 : i32
    %dma_start3A_45 = tpu.memref_slice %arg5[%dma_start3A_38, %dma_start3A_44] : memref<20x128xi32, #tpu.memory_space<vmem>> -> memref<1x128xi32, #tpu.memory_space<vmem>>
    %dma_start3A_46 = tpu.memref_squeeze %dma_start3A_45 : memref<1x128xi32, #tpu.memory_space<vmem>> -> memref<128xi32, #tpu.memory_space<vmem>>
    %dma_start3A_47 = arith.constant 0 : i32
    %dma_start3A_48 = arith.constant 0 : i32
    %dma_start3A_49 = tpu.memref_slice %arg2[%dma_start3A_47, %dma_start3A_48] : memref<100000x128xf32, #tpu.memory_space<hbm>> -> memref<100000x128xf32, #tpu.memory_space<hbm>>
    tpu.enqueue_indirect_dma source(%dma_start3A_49 : memref<100000x128xf32, #tpu.memory_space<hbm>>) target(%dma_start3A_43 : memref<128x128xf32, #tpu.memory_space<vmem>>) offsets(%dma_start3A_46 : memref<128xi32, #tpu.memory_space<vmem>>) semaphore(%arg8 : memref<!tpu.dma_semaphore, #tpu.memory_space<semaphore_mem>>)
    %dma_start3A_50 = arith.constant 4 : i32
    %dma_start3A_51 = arith.constant 2 : i32
    %dma_start3A_52 = arith.constant 0 : i32
    %dma_start3A_53 = arith.constant 0 : i32
    %dma_start3A_54 = tpu.memref_slice %arg6[%dma_start3A_51, %dma_start3A_52, %dma_start3A_53] : memref<3x256x128xf32, #tpu.memory_space<vmem>> -> memref<1x128x128xf32, #tpu.memory_space<vmem>>
    %dma_start3A_55 = tpu.memref_squeeze %dma_start3A_54 : memref<1x128x128xf32, #tpu.memory_space<vmem>> -> memref<128x128xf32, #tpu.memory_space<vmem>>
    %dma_start3A_56 = arith.constant 0 : i32
    %dma_start3A_57 = tpu.memref_slice %arg5[%dma_start3A_50, %dma_start3A_56] : memref<20x128xi32, #tpu.memory_space<vmem>> -> memref<1x128xi32, #tpu.memory_space<vmem>>
    %dma_start3A_58 = tpu.memref_squeeze %dma_start3A_57 : memref<1x128xi32, #tpu.memory_space<vmem>> -> memref<128xi32, #tpu.memory_space<vmem>>
    %dma_start3A_59 = arith.constant 0 : i32
    %dma_start3A_60 = arith.constant 0 : i32
    %dma_start3A_61 = tpu.memref_slice %arg2[%dma_start3A_59, %dma_start3A_60] : memref<100000x128xf32, #tpu.memory_space<hbm>> -> memref<100000x128xf32, #tpu.memory_space<hbm>>
    tpu.enqueue_indirect_dma source(%dma_start3A_61 : memref<100000x128xf32, #tpu.memory_space<hbm>>) target(%dma_start3A_55 : memref<128x128xf32, #tpu.memory_space<vmem>>) offsets(%dma_start3A_58 : memref<128xi32, #tpu.memory_space<vmem>>) semaphore(%arg9 : memref<!tpu.dma_semaphore, #tpu.memory_space<semaphore_mem>>)
    %dma_start3A_62 = arith.constant 5 : i32
    %dma_start3A_63 = arith.constant 2 : i32
    %dma_start3A_64 = arith.constant 128 : i32
    %dma_start3A_65 = arith.constant 0 : i32
    %dma_start3A_66 = tpu.memref_slice %arg6[%dma_start3A_63, %dma_start3A_64, %dma_start3A_65] : memref<3x256x128xf32, #tpu.memory_space<vmem>> -> memref<1x128x128xf32, #tpu.memory_space<vmem>>
    %dma_start3A_67 = tpu.memref_squeeze %dma_start3A_66 : memref<1x128x128xf32, #tpu.memory_space<vmem>> -> memref<128x128xf32, #tpu.memory_space<vmem>>
    %dma_start3A_68 = arith.constant 0 : i32
    %dma_start3A_69 = tpu.memref_slice %arg5[%dma_start3A_62, %dma_start3A_68] : memref<20x128xi32, #tpu.memory_space<vmem>> -> memref<1x128xi32, #tpu.memory_space<vmem>>
    %dma_start3A_70 = tpu.memref_squeeze %dma_start3A_69 : memref<1x128xi32, #tpu.memory_space<vmem>> -> memref<128xi32, #tpu.memory_space<vmem>>
    %dma_start3A_71 = arith.constant 0 : i32
    %dma_start3A_72 = arith.constant 0 : i32
    %dma_start3A_73 = tpu.memref_slice %arg2[%dma_start3A_71, %dma_start3A_72] : memref<100000x128xf32, #tpu.memory_space<hbm>> -> memref<100000x128xf32, #tpu.memory_space<hbm>>
    tpu.enqueue_indirect_dma source(%dma_start3A_73 : memref<100000x128xf32, #tpu.memory_space<hbm>>) target(%dma_start3A_67 : memref<128x128xf32, #tpu.memory_space<vmem>>) offsets(%dma_start3A_70 : memref<128xi32, #tpu.memory_space<vmem>>) semaphore(%arg9 : memref<!tpu.dma_semaphore, #tpu.memory_space<semaphore_mem>>)
    %dma_wait3A = arith.constant 0 : i32
    %dma_wait3A_74 = arith.constant 0 : i32
    %dma_wait3A_75 = arith.constant 0 : i32
    %dma_wait3A_76 = arith.constant 0 : i32
    %dma_wait3A_77 = tpu.memref_slice %arg6[%dma_wait3A_74, %dma_wait3A_75, %dma_wait3A_76] : memref<3x256x128xf32, #tpu.memory_space<vmem>> -> memref<1x128x128xf32, #tpu.memory_space<vmem>>
    %dma_wait3A_78 = tpu.memref_squeeze %dma_wait3A_77 : memref<1x128x128xf32, #tpu.memory_space<vmem>> -> memref<128x128xf32, #tpu.memory_space<vmem>>
    %dma_wait3A_79 = arith.constant 0 : i32
    %dma_wait3A_80 = tpu.memref_slice %arg5[%dma_wait3A, %dma_wait3A_79] : memref<20x128xi32, #tpu.memory_space<vmem>> -> memref<1x128xi32, #tpu.memory_space<vmem>>
    %dma_wait3A_81 = tpu.memref_squeeze %dma_wait3A_80 : memref<1x128xi32, #tpu.memory_space<vmem>> -> memref<128xi32, #tpu.memory_space<vmem>>
    %dma_wait3A_82 = arith.constant 0 : i32
    %dma_wait3A_83 = arith.constant 0 : i32
    %dma_wait3A_84 = tpu.memref_slice %arg2[%dma_wait3A_82, %dma_wait3A_83] : memref<100000x128xf32, #tpu.memory_space<hbm>> -> memref<100000x128xf32, #tpu.memory_space<hbm>>
    tpu.wait_indirect_dma semaphore(%arg7 : memref<!tpu.dma_semaphore, #tpu.memory_space<semaphore_mem>>) src(%dma_wait3A_84 : memref<100000x128xf32, #tpu.memory_space<hbm>>) dst(%dma_wait3A_78 : memref<128x128xf32, #tpu.memory_space<vmem>>)
    %dma_wait3A_85 = arith.constant 1 : i32
    %dma_wait3A_86 = arith.constant 0 : i32
    %dma_wait3A_87 = arith.constant 128 : i32
    %dma_wait3A_88 = arith.constant 0 : i32
    %dma_wait3A_89 = tpu.memref_slice %arg6[%dma_wait3A_86, %dma_wait3A_87, %dma_wait3A_88] : memref<3x256x128xf32, #tpu.memory_space<vmem>> -> memref<1x128x128xf32, #tpu.memory_space<vmem>>
    %dma_wait3A_90 = tpu.memref_squeeze %dma_wait3A_89 : memref<1x128x128xf32, #tpu.memory_space<vmem>> -> memref<128x128xf32, #tpu.memory_space<vmem>>
    %dma_wait3A_91 = arith.constant 0 : i32
    %dma_wait3A_92 = tpu.memref_slice %arg5[%dma_wait3A_85, %dma_wait3A_91] : memref<20x128xi32, #tpu.memory_space<vmem>> -> memref<1x128xi32, #tpu.memory_space<vmem>>
    %dma_wait3A_93 = tpu.memref_squeeze %dma_wait3A_92 : memref<1x128xi32, #tpu.memory_space<vmem>> -> memref<128xi32, #tpu.memory_space<vmem>>
    %dma_wait3A_94 = arith.constant 0 : i32
    %dma_wait3A_95 = arith.constant 0 : i32
    %dma_wait3A_96 = tpu.memref_slice %arg2[%dma_wait3A_94, %dma_wait3A_95] : memref<100000x128xf32, #tpu.memory_space<hbm>> -> memref<100000x128xf32, #tpu.memory_space<hbm>>
    tpu.wait_indirect_dma semaphore(%arg7 : memref<!tpu.dma_semaphore, #tpu.memory_space<semaphore_mem>>) src(%dma_wait3A_96 : memref<100000x128xf32, #tpu.memory_space<hbm>>) dst(%dma_wait3A_90 : memref<128x128xf32, #tpu.memory_space<vmem>>)
    %add3A_97 = arith.constant 0 : i32
    %add3A_98 = arith.addi %mul3A_2, %add3A_97 : i32
    %dma_start3A_99 = arith.constant 0 : i32
    %dma_start3A_100 = arith.constant 0 : i32
    %dma_start3A_101 = arith.constant 0 : i32
    %dma_start3A_102 = tpu.memref_slice %arg6[%dma_start3A_99, %dma_start3A_100, %dma_start3A_101] : memref<3x256x128xf32, #tpu.memory_space<vmem>> -> memref<1x256x128xf32, #tpu.memory_space<vmem>>
    %dma_start3A_103 = tpu.memref_squeeze %dma_start3A_102 : memref<1x256x128xf32, #tpu.memory_space<vmem>> -> memref<256x128xf32, #tpu.memory_space<vmem>>
    %dma_start3A_104 = arith.constant 0 : i32
    %dma_start3A_105 = tpu.memref_slice %arg4[%add3A_98, %dma_start3A_104] : memref<81920x128xf32, #tpu.memory_space<hbm>> -> memref<256x128xf32, #tpu.memory_space<hbm>>
    %dma_start3A_106 = arith.constant 0 : i32
    %dma_start3A_107 = tpu.memref_slice %arg4[%add3A_98, %dma_start3A_106] : memref<81920x128xf32, #tpu.memory_space<hbm>> -> memref<256x128xf32, #tpu.memory_space<hbm>>
    %dma_start3A_108 = arith.constant 0 : i32
    %dma_start3A_109 = arith.constant 0 : i32
    %dma_start3A_110 = tpu.memref_slice %arg6[%dma_start3A_99, %dma_start3A_108, %dma_start3A_109] : memref<3x256x128xf32, #tpu.memory_space<vmem>> -> memref<1x256x128xf32, #tpu.memory_space<vmem>>
    %dma_start3A_111 = tpu.memref_squeeze %dma_start3A_110 : memref<1x256x128xf32, #tpu.memory_space<vmem>> -> memref<256x128xf32, #tpu.memory_space<vmem>>
    tpu.enqueue_dma source(%dma_start3A_111 : memref<256x128xf32, #tpu.memory_space<vmem>>) target(%dma_start3A_107 : memref<256x128xf32, #tpu.memory_space<hbm>>) target_semaphore(%arg10 : memref<!tpu.dma_semaphore, #tpu.memory_space<semaphore_mem>>)
    %dma_wait3A_112 = arith.constant 0 : i32
    %dma_wait3A_113 = arith.constant 0 : i32
    %dma_wait3A_114 = arith.constant 0 : i32
    %dma_wait3A_115 = tpu.memref_slice %arg6[%dma_wait3A_112, %dma_wait3A_113, %dma_wait3A_114] : memref<3x256x128xf32, #tpu.memory_space<vmem>> -> memref<1x256x128xf32, #tpu.memory_space<vmem>>
    %dma_wait3A_116 = tpu.memref_squeeze %dma_wait3A_115 : memref<1x256x128xf32, #tpu.memory_space<vmem>> -> memref<256x128xf32, #tpu.memory_space<vmem>>
    %dma_wait3A_117 = arith.constant 0 : i32
    %dma_wait3A_118 = tpu.memref_slice %arg4[%add3A_98, %dma_wait3A_117] : memref<81920x128xf32, #tpu.memory_space<hbm>> -> memref<256x128xf32, #tpu.memory_space<hbm>>
    %dma_wait3A_119 = arith.constant 0 : i32
    %dma_wait3A_120 = tpu.memref_slice %arg4[%add3A_98, %dma_wait3A_119] : memref<81920x128xf32, #tpu.memory_space<hbm>> -> memref<256x128xf32, #tpu.memory_space<hbm>>
    %dma_wait3A_121 = arith.constant 0 : i32
    %dma_wait3A_122 = arith.constant 0 : i32
    %dma_wait3A_123 = tpu.memref_slice %arg6[%dma_wait3A_112, %dma_wait3A_121, %dma_wait3A_122] : memref<3x256x128xf32, #tpu.memory_space<vmem>> -> memref<1x256x128xf32, #tpu.memory_space<vmem>>
    %dma_wait3A_124 = tpu.memref_squeeze %dma_wait3A_123 : memref<1x256x128xf32, #tpu.memory_space<vmem>> -> memref<256x128xf32, #tpu.memory_space<vmem>>
    tpu.wait_dma2 semaphore(%arg10 : memref<!tpu.dma_semaphore, #tpu.memory_space<semaphore_mem>>) src(%dma_wait3A_124 : memref<256x128xf32, #tpu.memory_space<vmem>>) dst(%dma_wait3A_120 : memref<256x128xf32, #tpu.memory_space<hbm>>)
    %dma_start3A_125 = arith.constant 6 : i32
    %dma_start3A_126 = arith.constant 0 : i32
    %dma_start3A_127 = arith.constant 0 : i32
    %dma_start3A_128 = arith.constant 0 : i32
    %dma_start3A_129 = tpu.memref_slice %arg6[%dma_start3A_126, %dma_start3A_127, %dma_start3A_128] : memref<3x256x128xf32, #tpu.memory_space<vmem>> -> memref<1x128x128xf32, #tpu.memory_space<vmem>>
    %dma_start3A_130 = tpu.memref_squeeze %dma_start3A_129 : memref<1x128x128xf32, #tpu.memory_space<vmem>> -> memref<128x128xf32, #tpu.memory_space<vmem>>
    %dma_start3A_131 = arith.constant 0 : i32
    %dma_start3A_132 = tpu.memref_slice %arg5[%dma_start3A_125, %dma_start3A_131] : memref<20x128xi32, #tpu.memory_space<vmem>> -> memref<1x128xi32, #tpu.memory_space<vmem>>
    %dma_start3A_133 = tpu.memref_squeeze %dma_start3A_132 : memref<1x128xi32, #tpu.memory_space<vmem>> -> memref<128xi32, #tpu.memory_space<vmem>>
    %dma_start3A_134 = arith.constant 0 : i32
    %dma_start3A_135 = arith.constant 0 : i32
    %dma_start3A_136 = tpu.memref_slice %arg2[%dma_start3A_134, %dma_start3A_135] : memref<100000x128xf32, #tpu.memory_space<hbm>> -> memref<100000x128xf32, #tpu.memory_space<hbm>>
    tpu.enqueue_indirect_dma source(%dma_start3A_136 : memref<100000x128xf32, #tpu.memory_space<hbm>>) target(%dma_start3A_130 : memref<128x128xf32, #tpu.memory_space<vmem>>) offsets(%dma_start3A_133 : memref<128xi32, #tpu.memory_space<vmem>>) semaphore(%arg7 : memref<!tpu.dma_semaphore, #tpu.memory_space<semaphore_mem>>)
    %dma_start3A_137 = arith.constant 7 : i32
    %dma_start3A_138 = arith.constant 0 : i32
    %dma_start3A_139 = arith.constant 128 : i32
    %dma_start3A_140 = arith.constant 0 : i32
    %dma_start3A_141 = tpu.memref_slice %arg6[%dma_start3A_138, %dma_start3A_139, %dma_start3A_140] : memref<3x256x128xf32, #tpu.memory_space<vmem>> -> memref<1x128x128xf32, #tpu.memory_space<vmem>>
    %dma_start3A_142 = tpu.memref_squeeze %dma_start3A_141 : memref<1x128x128xf32, #tpu.memory_space<vmem>> -> memref<128x128xf32, #tpu.memory_space<vmem>>
    %dma_start3A_143 = arith.constant 0 : i32
    %dma_start3A_144 = tpu.memref_slice %arg5[%dma_start3A_137, %dma_start3A_143] : memref<20x128xi32, #tpu.memory_space<vmem>> -> memref<1x128xi32, #tpu.memory_space<vmem>>
    %dma_start3A_145 = tpu.memref_squeeze %dma_start3A_144 : memref<1x128xi32, #tpu.memory_space<vmem>> -> memref<128xi32, #tpu.memory_space<vmem>>
    %dma_start3A_146 = arith.constant 0 : i32
    %dma_start3A_147 = arith.constant 0 : i32
    %dma_start3A_148 = tpu.memref_slice %arg2[%dma_start3A_146, %dma_start3A_147] : memref<100000x128xf32, #tpu.memory_space<hbm>> -> memref<100000x128xf32, #tpu.memory_space<hbm>>
    tpu.enqueue_indirect_dma source(%dma_start3A_148 : memref<100000x128xf32, #tpu.memory_space<hbm>>) target(%dma_start3A_142 : memref<128x128xf32, #tpu.memory_space<vmem>>) offsets(%dma_start3A_145 : memref<128xi32, #tpu.memory_space<vmem>>) semaphore(%arg7 : memref<!tpu.dma_semaphore, #tpu.memory_space<semaphore_mem>>)
    %dma_wait3A_149 = arith.constant 2 : i32
    %dma_wait3A_150 = arith.constant 1 : i32
    %dma_wait3A_151 = arith.constant 0 : i32
    %dma_wait3A_152 = arith.constant 0 : i32
    %dma_wait3A_153 = tpu.memref_slice %arg6[%dma_wait3A_150, %dma_wait3A_151, %dma_wait3A_152] : memref<3x256x128xf32, #tpu.memory_space<vmem>> -> memref<1x128x128xf32, #tpu.memory_space<vmem>>
    %dma_wait3A_154 = tpu.memref_squeeze %dma_wait3A_153 : memref<1x128x128xf32, #tpu.memory_space<vmem>> -> memref<128x128xf32, #tpu.memory_space<vmem>>
    %dma_wait3A_155 = arith.constant 0 : i32
    %dma_wait3A_156 = tpu.memref_slice %arg5[%dma_wait3A_149, %dma_wait3A_155] : memref<20x128xi32, #tpu.memory_space<vmem>> -> memref<1x128xi32, #tpu.memory_space<vmem>>
    %dma_wait3A_157 = tpu.memref_squeeze %dma_wait3A_156 : memref<1x128xi32, #tpu.memory_space<vmem>> -> memref<128xi32, #tpu.memory_space<vmem>>
    %dma_wait3A_158 = arith.constant 0 : i32
    %dma_wait3A_159 = arith.constant 0 : i32
    %dma_wait3A_160 = tpu.memref_slice %arg2[%dma_wait3A_158, %dma_wait3A_159] : memref<100000x128xf32, #tpu.memory_space<hbm>> -> memref<100000x128xf32, #tpu.memory_space<hbm>>
    tpu.wait_indirect_dma semaphore(%arg8 : memref<!tpu.dma_semaphore, #tpu.memory_space<semaphore_mem>>) src(%dma_wait3A_160 : memref<100000x128xf32, #tpu.memory_space<hbm>>) dst(%dma_wait3A_154 : memref<128x128xf32, #tpu.memory_space<vmem>>)
    %dma_wait3A_161 = arith.constant 3 : i32
    %dma_wait3A_162 = arith.constant 1 : i32
    %dma_wait3A_163 = arith.constant 128 : i32
    %dma_wait3A_164 = arith.constant 0 : i32
    %dma_wait3A_165 = tpu.memref_slice %arg6[%dma_wait3A_162, %dma_wait3A_163, %dma_wait3A_164] : memref<3x256x128xf32, #tpu.memory_space<vmem>> -> memref<1x128x128xf32, #tpu.memory_space<vmem>>
    %dma_wait3A_166 = tpu.memref_squeeze %dma_wait3A_165 : memref<1x128x128xf32, #tpu.memory_space<vmem>> -> memref<128x128xf32, #tpu.memory_space<vmem>>
    %dma_wait3A_167 = arith.constant 0 : i32
    %dma_wait3A_168 = tpu.memref_slice %arg5[%dma_wait3A_161, %dma_wait3A_167] : memref<20x128xi32, #tpu.memory_space<vmem>> -> memref<1x128xi32, #tpu.memory_space<vmem>>
    %dma_wait3A_169 = tpu.memref_squeeze %dma_wait3A_168 : memref<1x128xi32, #tpu.memory_space<vmem>> -> memref<128xi32, #tpu.memory_space<vmem>>
    %dma_wait3A_170 = arith.constant 0 : i32
    %dma_wait3A_171 = arith.constant 0 : i32
    %dma_wait3A_172 = tpu.memref_slice %arg2[%dma_wait3A_170, %dma_wait3A_171] : memref<100000x128xf32, #tpu.memory_space<hbm>> -> memref<100000x128xf32, #tpu.memory_space<hbm>>
    tpu.wait_indirect_dma semaphore(%arg8 : memref<!tpu.dma_semaphore, #tpu.memory_space<semaphore_mem>>) src(%dma_wait3A_172 : memref<100000x128xf32, #tpu.memory_space<hbm>>) dst(%dma_wait3A_166 : memref<128x128xf32, #tpu.memory_space<vmem>>)
    %add3A_173 = arith.constant 256 : i32
    %add3A_174 = arith.addi %mul3A_2, %add3A_173 : i32
    %dma_start3A_175 = arith.constant 1 : i32
    %dma_start3A_176 = arith.constant 0 : i32
    %dma_start3A_177 = arith.constant 0 : i32
    %dma_start3A_178 = tpu.memref_slice %arg6[%dma_start3A_175, %dma_start3A_176, %dma_start3A_177] : memref<3x256x128xf32, #tpu.memory_space<vmem>> -> memref<1x256x128xf32, #tpu.memory_space<vmem>>
    %dma_start3A_179 = tpu.memref_squeeze %dma_start3A_178 : memref<1x256x128xf32, #tpu.memory_space<vmem>> -> memref<256x128xf32, #tpu.memory_space<vmem>>
    %dma_start3A_180 = arith.constant 0 : i32
    %dma_start3A_181 = tpu.memref_slice %arg4[%add3A_174, %dma_start3A_180] : memref<81920x128xf32, #tpu.memory_space<hbm>> -> memref<256x128xf32, #tpu.memory_space<hbm>>
    %dma_start3A_182 = arith.constant 0 : i32
    %dma_start3A_183 = tpu.memref_slice %arg4[%add3A_174, %dma_start3A_182] : memref<81920x128xf32, #tpu.memory_space<hbm>> -> memref<256x128xf32, #tpu.memory_space<hbm>>
    %dma_start3A_184 = arith.constant 0 : i32
    %dma_start3A_185 = arith.constant 0 : i32
    %dma_start3A_186 = tpu.memref_slice %arg6[%dma_start3A_175, %dma_start3A_184, %dma_start3A_185] : memref<3x256x128xf32, #tpu.memory_space<vmem>> -> memref<1x256x128xf32, #tpu.memory_space<vmem>>
    %dma_start3A_187 = tpu.memref_squeeze %dma_start3A_186 : memref<1x256x128xf32, #tpu.memory_space<vmem>> -> memref<256x128xf32, #tpu.memory_space<vmem>>
    tpu.enqueue_dma source(%dma_start3A_187 : memref<256x128xf32, #tpu.memory_space<vmem>>) target(%dma_start3A_183 : memref<256x128xf32, #tpu.memory_space<hbm>>) target_semaphore(%arg11 : memref<!tpu.dma_semaphore, #tpu.memory_space<semaphore_mem>>)
    %dma_wait3A_188 = arith.constant 1 : i32
    %dma_wait3A_189 = arith.constant 0 : i32
    %dma_wait3A_190 = arith.constant 0 : i32
    %dma_wait3A_191 = tpu.memref_slice %arg6[%dma_wait3A_188, %dma_wait3A_189, %dma_wait3A_190] : memref<3x256x128xf32, #tpu.memory_space<vmem>> -> memref<1x256x128xf32, #tpu.memory_space<vmem>>
    %dma_wait3A_192 = tpu.memref_squeeze %dma_wait3A_191 : memref<1x256x128xf32, #tpu.memory_space<vmem>> -> memref<256x128xf32, #tpu.memory_space<vmem>>
    %dma_wait3A_193 = arith.constant 0 : i32
    %dma_wait3A_194 = tpu.memref_slice %arg4[%add3A_174, %dma_wait3A_193] : memref<81920x128xf32, #tpu.memory_space<hbm>> -> memref<256x128xf32, #tpu.memory_space<hbm>>
    %dma_wait3A_195 = arith.constant 0 : i32
    %dma_wait3A_196 = tpu.memref_slice %arg4[%add3A_174, %dma_wait3A_195] : memref<81920x128xf32, #tpu.memory_space<hbm>> -> memref<256x128xf32, #tpu.memory_space<hbm>>
    %dma_wait3A_197 = arith.constant 0 : i32
    %dma_wait3A_198 = arith.constant 0 : i32
    %dma_wait3A_199 = tpu.memref_slice %arg6[%dma_wait3A_188, %dma_wait3A_197, %dma_wait3A_198] : memref<3x256x128xf32, #tpu.memory_space<vmem>> -> memref<1x256x128xf32, #tpu.memory_space<vmem>>
    %dma_wait3A_200 = tpu.memref_squeeze %dma_wait3A_199 : memref<1x256x128xf32, #tpu.memory_space<vmem>> -> memref<256x128xf32, #tpu.memory_space<vmem>>
    tpu.wait_dma2 semaphore(%arg11 : memref<!tpu.dma_semaphore, #tpu.memory_space<semaphore_mem>>) src(%dma_wait3A_200 : memref<256x128xf32, #tpu.memory_space<vmem>>) dst(%dma_wait3A_196 : memref<256x128xf32, #tpu.memory_space<hbm>>)
    %dma_start3A_201 = arith.constant 8 : i32
    %dma_start3A_202 = arith.constant 1 : i32
    %dma_start3A_203 = arith.constant 0 : i32
    %dma_start3A_204 = arith.constant 0 : i32
    %dma_start3A_205 = tpu.memref_slice %arg6[%dma_start3A_202, %dma_start3A_203, %dma_start3A_204] : memref<3x256x128xf32, #tpu.memory_space<vmem>> -> memref<1x128x128xf32, #tpu.memory_space<vmem>>
    %dma_start3A_206 = tpu.memref_squeeze %dma_start3A_205 : memref<1x128x128xf32, #tpu.memory_space<vmem>> -> memref<128x128xf32, #tpu.memory_space<vmem>>
    %dma_start3A_207 = arith.constant 0 : i32
    %dma_start3A_208 = tpu.memref_slice %arg5[%dma_start3A_201, %dma_start3A_207] : memref<20x128xi32, #tpu.memory_space<vmem>> -> memref<1x128xi32, #tpu.memory_space<vmem>>
    %dma_start3A_209 = tpu.memref_squeeze %dma_start3A_208 : memref<1x128xi32, #tpu.memory_space<vmem>> -> memref<128xi32, #tpu.memory_space<vmem>>
    %dma_start3A_210 = arith.constant 0 : i32
    %dma_start3A_211 = arith.constant 0 : i32
    %dma_start3A_212 = tpu.memref_slice %arg2[%dma_start3A_210, %dma_start3A_211] : memref<100000x128xf32, #tpu.memory_space<hbm>> -> memref<100000x128xf32, #tpu.memory_space<hbm>>
    tpu.enqueue_indirect_dma source(%dma_start3A_212 : memref<100000x128xf32, #tpu.memory_space<hbm>>) target(%dma_start3A_206 : memref<128x128xf32, #tpu.memory_space<vmem>>) offsets(%dma_start3A_209 : memref<128xi32, #tpu.memory_space<vmem>>) semaphore(%arg8 : memref<!tpu.dma_semaphore, #tpu.memory_space<semaphore_mem>>)
    %dma_start3A_213 = arith.constant 9 : i32
    %dma_start3A_214 = arith.constant 1 : i32
    %dma_start3A_215 = arith.constant 128 : i32
    %dma_start3A_216 = arith.constant 0 : i32
    %dma_start3A_217 = tpu.memref_slice %arg6[%dma_start3A_214, %dma_start3A_215, %dma_start3A_216] : memref<3x256x128xf32, #tpu.memory_space<vmem>> -> memref<1x128x128xf32, #tpu.memory_space<vmem>>
    %dma_start3A_218 = tpu.memref_squeeze %dma_start3A_217 : memref<1x128x128xf32, #tpu.memory_space<vmem>> -> memref<128x128xf32, #tpu.memory_space<vmem>>
    %dma_start3A_219 = arith.constant 0 : i32
    %dma_start3A_220 = tpu.memref_slice %arg5[%dma_start3A_213, %dma_start3A_219] : memref<20x128xi32, #tpu.memory_space<vmem>> -> memref<1x128xi32, #tpu.memory_space<vmem>>
    %dma_start3A_221 = tpu.memref_squeeze %dma_start3A_220 : memref<1x128xi32, #tpu.memory_space<vmem>> -> memref<128xi32, #tpu.memory_space<vmem>>
    %dma_start3A_222 = arith.constant 0 : i32
    %dma_start3A_223 = arith.constant 0 : i32
    %dma_start3A_224 = tpu.memref_slice %arg2[%dma_start3A_222, %dma_start3A_223] : memref<100000x128xf32, #tpu.memory_space<hbm>> -> memref<100000x128xf32, #tpu.memory_space<hbm>>
    tpu.enqueue_indirect_dma source(%dma_start3A_224 : memref<100000x128xf32, #tpu.memory_space<hbm>>) target(%dma_start3A_218 : memref<128x128xf32, #tpu.memory_space<vmem>>) offsets(%dma_start3A_221 : memref<128xi32, #tpu.memory_space<vmem>>) semaphore(%arg8 : memref<!tpu.dma_semaphore, #tpu.memory_space<semaphore_mem>>)
    %dma_wait3A_225 = arith.constant 4 : i32
    %dma_wait3A_226 = arith.constant 2 : i32
    %dma_wait3A_227 = arith.constant 0 : i32
    %dma_wait3A_228 = arith.constant 0 : i32
    %dma_wait3A_229 = tpu.memref_slice %arg6[%dma_wait3A_226, %dma_wait3A_227, %dma_wait3A_228] : memref<3x256x128xf32, #tpu.memory_space<vmem>> -> memref<1x128x128xf32, #tpu.memory_space<vmem>>
    %dma_wait3A_230 = tpu.memref_squeeze %dma_wait3A_229 : memref<1x128x128xf32, #tpu.memory_space<vmem>> -> memref<128x128xf32, #tpu.memory_space<vmem>>
    %dma_wait3A_231 = arith.constant 0 : i32
    %dma_wait3A_232 = tpu.memref_slice %arg5[%dma_wait3A_225, %dma_wait3A_231] : memref<20x128xi32, #tpu.memory_space<vmem>> -> memref<1x128xi32, #tpu.memory_space<vmem>>
    %dma_wait3A_233 = tpu.memref_squeeze %dma_wait3A_232 : memref<1x128xi32, #tpu.memory_space<vmem>> -> memref<128xi32, #tpu.memory_space<vmem>>
    %dma_wait3A_234 = arith.constant 0 : i32
    %dma_wait3A_235 = arith.constant 0 : i32
    %dma_wait3A_236 = tpu.memref_slice %arg2[%dma_wait3A_234, %dma_wait3A_235] : memref<100000x128xf32, #tpu.memory_space<hbm>> -> memref<100000x128xf32, #tpu.memory_space<hbm>>
    tpu.wait_indirect_dma semaphore(%arg9 : memref<!tpu.dma_semaphore, #tpu.memory_space<semaphore_mem>>) src(%dma_wait3A_236 : memref<100000x128xf32, #tpu.memory_space<hbm>>) dst(%dma_wait3A_230 : memref<128x128xf32, #tpu.memory_space<vmem>>)
    %dma_wait3A_237 = arith.constant 5 : i32
    %dma_wait3A_238 = arith.constant 2 : i32
    %dma_wait3A_239 = arith.constant 128 : i32
    %dma_wait3A_240 = arith.constant 0 : i32
    %dma_wait3A_241 = tpu.memref_slice %arg6[%dma_wait3A_238, %dma_wait3A_239, %dma_wait3A_240] : memref<3x256x128xf32, #tpu.memory_space<vmem>> -> memref<1x128x128xf32, #tpu.memory_space<vmem>>
    %dma_wait3A_242 = tpu.memref_squeeze %dma_wait3A_241 : memref<1x128x128xf32, #tpu.memory_space<vmem>> -> memref<128x128xf32, #tpu.memory_space<vmem>>
    %dma_wait3A_243 = arith.constant 0 : i32
    %dma_wait3A_244 = tpu.memref_slice %arg5[%dma_wait3A_237, %dma_wait3A_243] : memref<20x128xi32, #tpu.memory_space<vmem>> -> memref<1x128xi32, #tpu.memory_space<vmem>>
    %dma_wait3A_245 = tpu.memref_squeeze %dma_wait3A_244 : memref<1x128xi32, #tpu.memory_space<vmem>> -> memref<128xi32, #tpu.memory_space<vmem>>
    %dma_wait3A_246 = arith.constant 0 : i32
    %dma_wait3A_247 = arith.constant 0 : i32
    %dma_wait3A_248 = tpu.memref_slice %arg2[%dma_wait3A_246, %dma_wait3A_247] : memref<100000x128xf32, #tpu.memory_space<hbm>> -> memref<100000x128xf32, #tpu.memory_space<hbm>>
    tpu.wait_indirect_dma semaphore(%arg9 : memref<!tpu.dma_semaphore, #tpu.memory_space<semaphore_mem>>) src(%dma_wait3A_248 : memref<100000x128xf32, #tpu.memory_space<hbm>>) dst(%dma_wait3A_242 : memref<128x128xf32, #tpu.memory_space<vmem>>)
    %add3A_249 = arith.constant 512 : i32
    %add3A_250 = arith.addi %mul3A_2, %add3A_249 : i32
    %dma_start3A_251 = arith.constant 2 : i32
    %dma_start3A_252 = arith.constant 0 : i32
    %dma_start3A_253 = arith.constant 0 : i32
    %dma_start3A_254 = tpu.memref_slice %arg6[%dma_start3A_251, %dma_start3A_252, %dma_start3A_253] : memref<3x256x128xf32, #tpu.memory_space<vmem>> -> memref<1x256x128xf32, #tpu.memory_space<vmem>>
    %dma_start3A_255 = tpu.memref_squeeze %dma_start3A_254 : memref<1x256x128xf32, #tpu.memory_space<vmem>> -> memref<256x128xf32, #tpu.memory_space<vmem>>
    %dma_start3A_256 = arith.constant 0 : i32
    %dma_start3A_257 = tpu.memref_slice %arg4[%add3A_250, %dma_start3A_256] : memref<81920x128xf32, #tpu.memory_space<hbm>> -> memref<256x128xf32, #tpu.memory_space<hbm>>
    %dma_start3A_258 = arith.constant 0 : i32
    %dma_start3A_259 = tpu.memref_slice %arg4[%add3A_250, %dma_start3A_258] : memref<81920x128xf32, #tpu.memory_space<hbm>> -> memref<256x128xf32, #tpu.memory_space<hbm>>
    %dma_start3A_260 = arith.constant 0 : i32
    %dma_start3A_261 = arith.constant 0 : i32
    %dma_start3A_262 = tpu.memref_slice %arg6[%dma_start3A_251, %dma_start3A_260, %dma_start3A_261] : memref<3x256x128xf32, #tpu.memory_space<vmem>> -> memref<1x256x128xf32, #tpu.memory_space<vmem>>
    %dma_start3A_263 = tpu.memref_squeeze %dma_start3A_262 : memref<1x256x128xf32, #tpu.memory_space<vmem>> -> memref<256x128xf32, #tpu.memory_space<vmem>>
    tpu.enqueue_dma source(%dma_start3A_263 : memref<256x128xf32, #tpu.memory_space<vmem>>) target(%dma_start3A_259 : memref<256x128xf32, #tpu.memory_space<hbm>>) target_semaphore(%arg12 : memref<!tpu.dma_semaphore, #tpu.memory_space<semaphore_mem>>)
    %dma_wait3A_264 = arith.constant 2 : i32
    %dma_wait3A_265 = arith.constant 0 : i32
    %dma_wait3A_266 = arith.constant 0 : i32
    %dma_wait3A_267 = tpu.memref_slice %arg6[%dma_wait3A_264, %dma_wait3A_265, %dma_wait3A_266] : memref<3x256x128xf32, #tpu.memory_space<vmem>> -> memref<1x256x128xf32, #tpu.memory_space<vmem>>
    %dma_wait3A_268 = tpu.memref_squeeze %dma_wait3A_267 : memref<1x256x128xf32, #tpu.memory_space<vmem>> -> memref<256x128xf32, #tpu.memory_space<vmem>>
    %dma_wait3A_269 = arith.constant 0 : i32
    %dma_wait3A_270 = tpu.memref_slice %arg4[%add3A_250, %dma_wait3A_269] : memref<81920x128xf32, #tpu.memory_space<hbm>> -> memref<256x128xf32, #tpu.memory_space<hbm>>
    %dma_wait3A_271 = arith.constant 0 : i32
    %dma_wait3A_272 = tpu.memref_slice %arg4[%add3A_250, %dma_wait3A_271] : memref<81920x128xf32, #tpu.memory_space<hbm>> -> memref<256x128xf32, #tpu.memory_space<hbm>>
    %dma_wait3A_273 = arith.constant 0 : i32
    %dma_wait3A_274 = arith.constant 0 : i32
    %dma_wait3A_275 = tpu.memref_slice %arg6[%dma_wait3A_264, %dma_wait3A_273, %dma_wait3A_274] : memref<3x256x128xf32, #tpu.memory_space<vmem>> -> memref<1x256x128xf32, #tpu.memory_space<vmem>>
    %dma_wait3A_276 = tpu.memref_squeeze %dma_wait3A_275 : memref<1x256x128xf32, #tpu.memory_space<vmem>> -> memref<256x128xf32, #tpu.memory_space<vmem>>
    tpu.wait_dma2 semaphore(%arg12 : memref<!tpu.dma_semaphore, #tpu.memory_space<semaphore_mem>>) src(%dma_wait3A_276 : memref<256x128xf32, #tpu.memory_space<vmem>>) dst(%dma_wait3A_272 : memref<256x128xf32, #tpu.memory_space<hbm>>)
    %dma_start3A_277 = arith.constant 10 : i32
    %dma_start3A_278 = arith.constant 2 : i32
    %dma_start3A_279 = arith.constant 0 : i32
    %dma_start3A_280 = arith.constant 0 : i32
    %dma_start3A_281 = tpu.memref_slice %arg6[%dma_start3A_278, %dma_start3A_279, %dma_start3A_280] : memref<3x256x128xf32, #tpu.memory_space<vmem>> -> memref<1x128x128xf32, #tpu.memory_space<vmem>>
    %dma_start3A_282 = tpu.memref_squeeze %dma_start3A_281 : memref<1x128x128xf32, #tpu.memory_space<vmem>> -> memref<128x128xf32, #tpu.memory_space<vmem>>
    %dma_start3A_283 = arith.constant 0 : i32
    %dma_start3A_284 = tpu.memref_slice %arg5[%dma_start3A_277, %dma_start3A_283] : memref<20x128xi32, #tpu.memory_space<vmem>> -> memref<1x128xi32, #tpu.memory_space<vmem>>
    %dma_start3A_285 = tpu.memref_squeeze %dma_start3A_284 : memref<1x128xi32, #tpu.memory_space<vmem>> -> memref<128xi32, #tpu.memory_space<vmem>>
    %dma_start3A_286 = arith.constant 0 : i32
    %dma_start3A_287 = arith.constant 0 : i32
    %dma_start3A_288 = tpu.memref_slice %arg2[%dma_start3A_286, %dma_start3A_287] : memref<100000x128xf32, #tpu.memory_space<hbm>> -> memref<100000x128xf32, #tpu.memory_space<hbm>>
    tpu.enqueue_indirect_dma source(%dma_start3A_288 : memref<100000x128xf32, #tpu.memory_space<hbm>>) target(%dma_start3A_282 : memref<128x128xf32, #tpu.memory_space<vmem>>) offsets(%dma_start3A_285 : memref<128xi32, #tpu.memory_space<vmem>>) semaphore(%arg9 : memref<!tpu.dma_semaphore, #tpu.memory_space<semaphore_mem>>)
    %dma_start3A_289 = arith.constant 11 : i32
    %dma_start3A_290 = arith.constant 2 : i32
    %dma_start3A_291 = arith.constant 128 : i32
    %dma_start3A_292 = arith.constant 0 : i32
    %dma_start3A_293 = tpu.memref_slice %arg6[%dma_start3A_290, %dma_start3A_291, %dma_start3A_292] : memref<3x256x128xf32, #tpu.memory_space<vmem>> -> memref<1x128x128xf32, #tpu.memory_space<vmem>>
    %dma_start3A_294 = tpu.memref_squeeze %dma_start3A_293 : memref<1x128x128xf32, #tpu.memory_space<vmem>> -> memref<128x128xf32, #tpu.memory_space<vmem>>
    %dma_start3A_295 = arith.constant 0 : i32
    %dma_start3A_296 = tpu.memref_slice %arg5[%dma_start3A_289, %dma_start3A_295] : memref<20x128xi32, #tpu.memory_space<vmem>> -> memref<1x128xi32, #tpu.memory_space<vmem>>
    %dma_start3A_297 = tpu.memref_squeeze %dma_start3A_296 : memref<1x128xi32, #tpu.memory_space<vmem>> -> memref<128xi32, #tpu.memory_space<vmem>>
    %dma_start3A_298 = arith.constant 0 : i32
    %dma_start3A_299 = arith.constant 0 : i32
    %dma_start3A_300 = tpu.memref_slice %arg2[%dma_start3A_298, %dma_start3A_299] : memref<100000x128xf32, #tpu.memory_space<hbm>> -> memref<100000x128xf32, #tpu.memory_space<hbm>>
    tpu.enqueue_indirect_dma source(%dma_start3A_300 : memref<100000x128xf32, #tpu.memory_space<hbm>>) target(%dma_start3A_294 : memref<128x128xf32, #tpu.memory_space<vmem>>) offsets(%dma_start3A_297 : memref<128xi32, #tpu.memory_space<vmem>>) semaphore(%arg9 : memref<!tpu.dma_semaphore, #tpu.memory_space<semaphore_mem>>)
    %dma_wait3A_301 = arith.constant 6 : i32
    %dma_wait3A_302 = arith.constant 0 : i32
    %dma_wait3A_303 = arith.constant 0 : i32
    %dma_wait3A_304 = arith.constant 0 : i32
    %dma_wait3A_305 = tpu.memref_slice %arg6[%dma_wait3A_302, %dma_wait3A_303, %dma_wait3A_304] : memref<3x256x128xf32, #tpu.memory_space<vmem>> -> memref<1x128x128xf32, #tpu.memory_space<vmem>>
    %dma_wait3A_306 = tpu.memref_squeeze %dma_wait3A_305 : memref<1x128x128xf32, #tpu.memory_space<vmem>> -> memref<128x128xf32, #tpu.memory_space<vmem>>
    %dma_wait3A_307 = arith.constant 0 : i32
    %dma_wait3A_308 = tpu.memref_slice %arg5[%dma_wait3A_301, %dma_wait3A_307] : memref<20x128xi32, #tpu.memory_space<vmem>> -> memref<1x128xi32, #tpu.memory_space<vmem>>
    %dma_wait3A_309 = tpu.memref_squeeze %dma_wait3A_308 : memref<1x128xi32, #tpu.memory_space<vmem>> -> memref<128xi32, #tpu.memory_space<vmem>>
    %dma_wait3A_310 = arith.constant 0 : i32
    %dma_wait3A_311 = arith.constant 0 : i32
    %dma_wait3A_312 = tpu.memref_slice %arg2[%dma_wait3A_310, %dma_wait3A_311] : memref<100000x128xf32, #tpu.memory_space<hbm>> -> memref<100000x128xf32, #tpu.memory_space<hbm>>
    tpu.wait_indirect_dma semaphore(%arg7 : memref<!tpu.dma_semaphore, #tpu.memory_space<semaphore_mem>>) src(%dma_wait3A_312 : memref<100000x128xf32, #tpu.memory_space<hbm>>) dst(%dma_wait3A_306 : memref<128x128xf32, #tpu.memory_space<vmem>>)
    %dma_wait3A_313 = arith.constant 7 : i32
    %dma_wait3A_314 = arith.constant 0 : i32
    %dma_wait3A_315 = arith.constant 128 : i32
    %dma_wait3A_316 = arith.constant 0 : i32
    %dma_wait3A_317 = tpu.memref_slice %arg6[%dma_wait3A_314, %dma_wait3A_315, %dma_wait3A_316] : memref<3x256x128xf32, #tpu.memory_space<vmem>> -> memref<1x128x128xf32, #tpu.memory_space<vmem>>
    %dma_wait3A_318 = tpu.memref_squeeze %dma_wait3A_317 : memref<1x128x128xf32, #tpu.memory_space<vmem>> -> memref<128x128xf32, #tpu.memory_space<vmem>>
    %dma_wait3A_319 = arith.constant 0 : i32
    %dma_wait3A_320 = tpu.memref_slice %arg5[%dma_wait3A_313, %dma_wait3A_319] : memref<20x128xi32, #tpu.memory_space<vmem>> -> memref<1x128xi32, #tpu.memory_space<vmem>>
    %dma_wait3A_321 = tpu.memref_squeeze %dma_wait3A_320 : memref<1x128xi32, #tpu.memory_space<vmem>> -> memref<128xi32, #tpu.memory_space<vmem>>
    %dma_wait3A_322 = arith.constant 0 : i32
    %dma_wait3A_323 = arith.constant 0 : i32
    %dma_wait3A_324 = tpu.memref_slice %arg2[%dma_wait3A_322, %dma_wait3A_323] : memref<100000x128xf32, #tpu.memory_space<hbm>> -> memref<100000x128xf32, #tpu.memory_space<hbm>>
    tpu.wait_indirect_dma semaphore(%arg7 : memref<!tpu.dma_semaphore, #tpu.memory_space<semaphore_mem>>) src(%dma_wait3A_324 : memref<100000x128xf32, #tpu.memory_space<hbm>>) dst(%dma_wait3A_318 : memref<128x128xf32, #tpu.memory_space<vmem>>)
    %add3A_325 = arith.constant 768 : i32
    %add3A_326 = arith.addi %mul3A_2, %add3A_325 : i32
    %dma_start3A_327 = arith.constant 0 : i32
    %dma_start3A_328 = arith.constant 0 : i32
    %dma_start3A_329 = arith.constant 0 : i32
    %dma_start3A_330 = tpu.memref_slice %arg6[%dma_start3A_327, %dma_start3A_328, %dma_start3A_329] : memref<3x256x128xf32, #tpu.memory_space<vmem>> -> memref<1x256x128xf32, #tpu.memory_space<vmem>>
    %dma_start3A_331 = tpu.memref_squeeze %dma_start3A_330 : memref<1x256x128xf32, #tpu.memory_space<vmem>> -> memref<256x128xf32, #tpu.memory_space<vmem>>
    %dma_start3A_332 = arith.constant 0 : i32
    %dma_start3A_333 = tpu.memref_slice %arg4[%add3A_326, %dma_start3A_332] : memref<81920x128xf32, #tpu.memory_space<hbm>> -> memref<256x128xf32, #tpu.memory_space<hbm>>
    %dma_start3A_334 = arith.constant 0 : i32
    %dma_start3A_335 = tpu.memref_slice %arg4[%add3A_326, %dma_start3A_334] : memref<81920x128xf32, #tpu.memory_space<hbm>> -> memref<256x128xf32, #tpu.memory_space<hbm>>
    %dma_start3A_336 = arith.constant 0 : i32
    %dma_start3A_337 = arith.constant 0 : i32
    %dma_start3A_338 = tpu.memref_slice %arg6[%dma_start3A_327, %dma_start3A_336, %dma_start3A_337] : memref<3x256x128xf32, #tpu.memory_space<vmem>> -> memref<1x256x128xf32, #tpu.memory_space<vmem>>
    %dma_start3A_339 = tpu.memref_squeeze %dma_start3A_338 : memref<1x256x128xf32, #tpu.memory_space<vmem>> -> memref<256x128xf32, #tpu.memory_space<vmem>>
    tpu.enqueue_dma source(%dma_start3A_339 : memref<256x128xf32, #tpu.memory_space<vmem>>) target(%dma_start3A_335 : memref<256x128xf32, #tpu.memory_space<hbm>>) target_semaphore(%arg10 : memref<!tpu.dma_semaphore, #tpu.memory_space<semaphore_mem>>)
    %dma_wait3A_340 = arith.constant 0 : i32
    %dma_wait3A_341 = arith.constant 0 : i32
    %dma_wait3A_342 = arith.constant 0 : i32
    %dma_wait3A_343 = tpu.memref_slice %arg6[%dma_wait3A_340, %dma_wait3A_341, %dma_wait3A_342] : memref<3x256x128xf32, #tpu.memory_space<vmem>> -> memref<1x256x128xf32, #tpu.memory_space<vmem>>
    %dma_wait3A_344 = tpu.memref_squeeze %dma_wait3A_343 : memref<1x256x128xf32, #tpu.memory_space<vmem>> -> memref<256x128xf32, #tpu.memory_space<vmem>>
    %dma_wait3A_345 = arith.constant 0 : i32
    %dma_wait3A_346 = tpu.memref_slice %arg4[%add3A_326, %dma_wait3A_345] : memref<81920x128xf32, #tpu.memory_space<hbm>> -> memref<256x128xf32, #tpu.memory_space<hbm>>
    %dma_wait3A_347 = arith.constant 0 : i32
    %dma_wait3A_348 = tpu.memref_slice %arg4[%add3A_326, %dma_wait3A_347] : memref<81920x128xf32, #tpu.memory_space<hbm>> -> memref<256x128xf32, #tpu.memory_space<hbm>>
    %dma_wait3A_349 = arith.constant 0 : i32
    %dma_wait3A_350 = arith.constant 0 : i32
    %dma_wait3A_351 = tpu.memref_slice %arg6[%dma_wait3A_340, %dma_wait3A_349, %dma_wait3A_350] : memref<3x256x128xf32, #tpu.memory_space<vmem>> -> memref<1x256x128xf32, #tpu.memory_space<vmem>>
    %dma_wait3A_352 = tpu.memref_squeeze %dma_wait3A_351 : memref<1x256x128xf32, #tpu.memory_space<vmem>> -> memref<256x128xf32, #tpu.memory_space<vmem>>
    tpu.wait_dma2 semaphore(%arg10 : memref<!tpu.dma_semaphore, #tpu.memory_space<semaphore_mem>>) src(%dma_wait3A_352 : memref<256x128xf32, #tpu.memory_space<vmem>>) dst(%dma_wait3A_348 : memref<256x128xf32, #tpu.memory_space<hbm>>)
    %dma_start3A_353 = arith.constant 12 : i32
    %dma_start3A_354 = arith.constant 0 : i32
    %dma_start3A_355 = arith.constant 0 : i32
    %dma_start3A_356 = arith.constant 0 : i32
    %dma_start3A_357 = tpu.memref_slice %arg6[%dma_start3A_354, %dma_start3A_355, %dma_start3A_356] : memref<3x256x128xf32, #tpu.memory_space<vmem>> -> memref<1x128x128xf32, #tpu.memory_space<vmem>>
    %dma_start3A_358 = tpu.memref_squeeze %dma_start3A_357 : memref<1x128x128xf32, #tpu.memory_space<vmem>> -> memref<128x128xf32, #tpu.memory_space<vmem>>
    %dma_start3A_359 = arith.constant 0 : i32
    %dma_start3A_360 = tpu.memref_slice %arg5[%dma_start3A_353, %dma_start3A_359] : memref<20x128xi32, #tpu.memory_space<vmem>> -> memref<1x128xi32, #tpu.memory_space<vmem>>
    %dma_start3A_361 = tpu.memref_squeeze %dma_start3A_360 : memref<1x128xi32, #tpu.memory_space<vmem>> -> memref<128xi32, #tpu.memory_space<vmem>>
    %dma_start3A_362 = arith.constant 0 : i32
    %dma_start3A_363 = arith.constant 0 : i32
    %dma_start3A_364 = tpu.memref_slice %arg2[%dma_start3A_362, %dma_start3A_363] : memref<100000x128xf32, #tpu.memory_space<hbm>> -> memref<100000x128xf32, #tpu.memory_space<hbm>>
    tpu.enqueue_indirect_dma source(%dma_start3A_364 : memref<100000x128xf32, #tpu.memory_space<hbm>>) target(%dma_start3A_358 : memref<128x128xf32, #tpu.memory_space<vmem>>) offsets(%dma_start3A_361 : memref<128xi32, #tpu.memory_space<vmem>>) semaphore(%arg7 : memref<!tpu.dma_semaphore, #tpu.memory_space<semaphore_mem>>)
    %dma_start3A_365 = arith.constant 13 : i32
    %dma_start3A_366 = arith.constant 0 : i32
    %dma_start3A_367 = arith.constant 128 : i32
    %dma_start3A_368 = arith.constant 0 : i32
    %dma_start3A_369 = tpu.memref_slice %arg6[%dma_start3A_366, %dma_start3A_367, %dma_start3A_368] : memref<3x256x128xf32, #tpu.memory_space<vmem>> -> memref<1x128x128xf32, #tpu.memory_space<vmem>>
    %dma_start3A_370 = tpu.memref_squeeze %dma_start3A_369 : memref<1x128x128xf32, #tpu.memory_space<vmem>> -> memref<128x128xf32, #tpu.memory_space<vmem>>
    %dma_start3A_371 = arith.constant 0 : i32
    %dma_start3A_372 = tpu.memref_slice %arg5[%dma_start3A_365, %dma_start3A_371] : memref<20x128xi32, #tpu.memory_space<vmem>> -> memref<1x128xi32, #tpu.memory_space<vmem>>
    %dma_start3A_373 = tpu.memref_squeeze %dma_start3A_372 : memref<1x128xi32, #tpu.memory_space<vmem>> -> memref<128xi32, #tpu.memory_space<vmem>>
    %dma_start3A_374 = arith.constant 0 : i32
    %dma_start3A_375 = arith.constant 0 : i32
    %dma_start3A_376 = tpu.memref_slice %arg2[%dma_start3A_374, %dma_start3A_375] : memref<100000x128xf32, #tpu.memory_space<hbm>> -> memref<100000x128xf32, #tpu.memory_space<hbm>>
    tpu.enqueue_indirect_dma source(%dma_start3A_376 : memref<100000x128xf32, #tpu.memory_space<hbm>>) target(%dma_start3A_370 : memref<128x128xf32, #tpu.memory_space<vmem>>) offsets(%dma_start3A_373 : memref<128xi32, #tpu.memory_space<vmem>>) semaphore(%arg7 : memref<!tpu.dma_semaphore, #tpu.memory_space<semaphore_mem>>)
    %dma_wait3A_377 = arith.constant 8 : i32
    %dma_wait3A_378 = arith.constant 1 : i32
    %dma_wait3A_379 = arith.constant 0 : i32
    %dma_wait3A_380 = arith.constant 0 : i32
    %dma_wait3A_381 = tpu.memref_slice %arg6[%dma_wait3A_378, %dma_wait3A_379, %dma_wait3A_380] : memref<3x256x128xf32, #tpu.memory_space<vmem>> -> memref<1x128x128xf32, #tpu.memory_space<vmem>>
    %dma_wait3A_382 = tpu.memref_squeeze %dma_wait3A_381 : memref<1x128x128xf32, #tpu.memory_space<vmem>> -> memref<128x128xf32, #tpu.memory_space<vmem>>
    %dma_wait3A_383 = arith.constant 0 : i32
    %dma_wait3A_384 = tpu.memref_slice %arg5[%dma_wait3A_377, %dma_wait3A_383] : memref<20x128xi32, #tpu.memory_space<vmem>> -> memref<1x128xi32, #tpu.memory_space<vmem>>
    %dma_wait3A_385 = tpu.memref_squeeze %dma_wait3A_384 : memref<1x128xi32, #tpu.memory_space<vmem>> -> memref<128xi32, #tpu.memory_space<vmem>>
    %dma_wait3A_386 = arith.constant 0 : i32
    %dma_wait3A_387 = arith.constant 0 : i32
    %dma_wait3A_388 = tpu.memref_slice %arg2[%dma_wait3A_386, %dma_wait3A_387] : memref<100000x128xf32, #tpu.memory_space<hbm>> -> memref<100000x128xf32, #tpu.memory_space<hbm>>
    tpu.wait_indirect_dma semaphore(%arg8 : memref<!tpu.dma_semaphore, #tpu.memory_space<semaphore_mem>>) src(%dma_wait3A_388 : memref<100000x128xf32, #tpu.memory_space<hbm>>) dst(%dma_wait3A_382 : memref<128x128xf32, #tpu.memory_space<vmem>>)
    %dma_wait3A_389 = arith.constant 9 : i32
    %dma_wait3A_390 = arith.constant 1 : i32
    %dma_wait3A_391 = arith.constant 128 : i32
    %dma_wait3A_392 = arith.constant 0 : i32
    %dma_wait3A_393 = tpu.memref_slice %arg6[%dma_wait3A_390, %dma_wait3A_391, %dma_wait3A_392] : memref<3x256x128xf32, #tpu.memory_space<vmem>> -> memref<1x128x128xf32, #tpu.memory_space<vmem>>
    %dma_wait3A_394 = tpu.memref_squeeze %dma_wait3A_393 : memref<1x128x128xf32, #tpu.memory_space<vmem>> -> memref<128x128xf32, #tpu.memory_space<vmem>>
    %dma_wait3A_395 = arith.constant 0 : i32
    %dma_wait3A_396 = tpu.memref_slice %arg5[%dma_wait3A_389, %dma_wait3A_395] : memref<20x128xi32, #tpu.memory_space<vmem>> -> memref<1x128xi32, #tpu.memory_space<vmem>>
    %dma_wait3A_397 = tpu.memref_squeeze %dma_wait3A_396 : memref<1x128xi32, #tpu.memory_space<vmem>> -> memref<128xi32, #tpu.memory_space<vmem>>
    %dma_wait3A_398 = arith.constant 0 : i32
    %dma_wait3A_399 = arith.constant 0 : i32
    %dma_wait3A_400 = tpu.memref_slice %arg2[%dma_wait3A_398, %dma_wait3A_399] : memref<100000x128xf32, #tpu.memory_space<hbm>> -> memref<100000x128xf32, #tpu.memory_space<hbm>>
    tpu.wait_indirect_dma semaphore(%arg8 : memref<!tpu.dma_semaphore, #tpu.memory_space<semaphore_mem>>) src(%dma_wait3A_400 : memref<100000x128xf32, #tpu.memory_space<hbm>>) dst(%dma_wait3A_394 : memref<128x128xf32, #tpu.memory_space<vmem>>)
    %add3A_401 = arith.constant 1024 : i32
    %add3A_402 = arith.addi %mul3A_2, %add3A_401 : i32
    %dma_start3A_403 = arith.constant 1 : i32
    %dma_start3A_404 = arith.constant 0 : i32
    %dma_start3A_405 = arith.constant 0 : i32
    %dma_start3A_406 = tpu.memref_slice %arg6[%dma_start3A_403, %dma_start3A_404, %dma_start3A_405] : memref<3x256x128xf32, #tpu.memory_space<vmem>> -> memref<1x256x128xf32, #tpu.memory_space<vmem>>
    %dma_start3A_407 = tpu.memref_squeeze %dma_start3A_406 : memref<1x256x128xf32, #tpu.memory_space<vmem>> -> memref<256x128xf32, #tpu.memory_space<vmem>>
    %dma_start3A_408 = arith.constant 0 : i32
    %dma_start3A_409 = tpu.memref_slice %arg4[%add3A_402, %dma_start3A_408] : memref<81920x128xf32, #tpu.memory_space<hbm>> -> memref<256x128xf32, #tpu.memory_space<hbm>>
    %dma_start3A_410 = arith.constant 0 : i32
    %dma_start3A_411 = tpu.memref_slice %arg4[%add3A_402, %dma_start3A_410] : memref<81920x128xf32, #tpu.memory_space<hbm>> -> memref<256x128xf32, #tpu.memory_space<hbm>>
    %dma_start3A_412 = arith.constant 0 : i32
    %dma_start3A_413 = arith.constant 0 : i32
    %dma_start3A_414 = tpu.memref_slice %arg6[%dma_start3A_403, %dma_start3A_412, %dma_start3A_413] : memref<3x256x128xf32, #tpu.memory_space<vmem>> -> memref<1x256x128xf32, #tpu.memory_space<vmem>>
    %dma_start3A_415 = tpu.memref_squeeze %dma_start3A_414 : memref<1x256x128xf32, #tpu.memory_space<vmem>> -> memref<256x128xf32, #tpu.memory_space<vmem>>
    tpu.enqueue_dma source(%dma_start3A_415 : memref<256x128xf32, #tpu.memory_space<vmem>>) target(%dma_start3A_411 : memref<256x128xf32, #tpu.memory_space<hbm>>) target_semaphore(%arg11 : memref<!tpu.dma_semaphore, #tpu.memory_space<semaphore_mem>>)
    %dma_wait3A_416 = arith.constant 1 : i32
    %dma_wait3A_417 = arith.constant 0 : i32
    %dma_wait3A_418 = arith.constant 0 : i32
    %dma_wait3A_419 = tpu.memref_slice %arg6[%dma_wait3A_416, %dma_wait3A_417, %dma_wait3A_418] : memref<3x256x128xf32, #tpu.memory_space<vmem>> -> memref<1x256x128xf32, #tpu.memory_space<vmem>>
    %dma_wait3A_420 = tpu.memref_squeeze %dma_wait3A_419 : memref<1x256x128xf32, #tpu.memory_space<vmem>> -> memref<256x128xf32, #tpu.memory_space<vmem>>
    %dma_wait3A_421 = arith.constant 0 : i32
    %dma_wait3A_422 = tpu.memref_slice %arg4[%add3A_402, %dma_wait3A_421] : memref<81920x128xf32, #tpu.memory_space<hbm>> -> memref<256x128xf32, #tpu.memory_space<hbm>>
    %dma_wait3A_423 = arith.constant 0 : i32
    %dma_wait3A_424 = tpu.memref_slice %arg4[%add3A_402, %dma_wait3A_423] : memref<81920x128xf32, #tpu.memory_space<hbm>> -> memref<256x128xf32, #tpu.memory_space<hbm>>
    %dma_wait3A_425 = arith.constant 0 : i32
    %dma_wait3A_426 = arith.constant 0 : i32
    %dma_wait3A_427 = tpu.memref_slice %arg6[%dma_wait3A_416, %dma_wait3A_425, %dma_wait3A_426] : memref<3x256x128xf32, #tpu.memory_space<vmem>> -> memref<1x256x128xf32, #tpu.memory_space<vmem>>
    %dma_wait3A_428 = tpu.memref_squeeze %dma_wait3A_427 : memref<1x256x128xf32, #tpu.memory_space<vmem>> -> memref<256x128xf32, #tpu.memory_space<vmem>>
    tpu.wait_dma2 semaphore(%arg11 : memref<!tpu.dma_semaphore, #tpu.memory_space<semaphore_mem>>) src(%dma_wait3A_428 : memref<256x128xf32, #tpu.memory_space<vmem>>) dst(%dma_wait3A_424 : memref<256x128xf32, #tpu.memory_space<hbm>>)
    %dma_start3A_429 = arith.constant 14 : i32
    %dma_start3A_430 = arith.constant 1 : i32
    %dma_start3A_431 = arith.constant 0 : i32
    %dma_start3A_432 = arith.constant 0 : i32
    %dma_start3A_433 = tpu.memref_slice %arg6[%dma_start3A_430, %dma_start3A_431, %dma_start3A_432] : memref<3x256x128xf32, #tpu.memory_space<vmem>> -> memref<1x128x128xf32, #tpu.memory_space<vmem>>
    %dma_start3A_434 = tpu.memref_squeeze %dma_start3A_433 : memref<1x128x128xf32, #tpu.memory_space<vmem>> -> memref<128x128xf32, #tpu.memory_space<vmem>>
    %dma_start3A_435 = arith.constant 0 : i32
    %dma_start3A_436 = tpu.memref_slice %arg5[%dma_start3A_429, %dma_start3A_435] : memref<20x128xi32, #tpu.memory_space<vmem>> -> memref<1x128xi32, #tpu.memory_space<vmem>>
    %dma_start3A_437 = tpu.memref_squeeze %dma_start3A_436 : memref<1x128xi32, #tpu.memory_space<vmem>> -> memref<128xi32, #tpu.memory_space<vmem>>
    %dma_start3A_438 = arith.constant 0 : i32
    %dma_start3A_439 = arith.constant 0 : i32
    %dma_start3A_440 = tpu.memref_slice %arg2[%dma_start3A_438, %dma_start3A_439] : memref<100000x128xf32, #tpu.memory_space<hbm>> -> memref<100000x128xf32, #tpu.memory_space<hbm>>
    tpu.enqueue_indirect_dma source(%dma_start3A_440 : memref<100000x128xf32, #tpu.memory_space<hbm>>) target(%dma_start3A_434 : memref<128x128xf32, #tpu.memory_space<vmem>>) offsets(%dma_start3A_437 : memref<128xi32, #tpu.memory_space<vmem>>) semaphore(%arg8 : memref<!tpu.dma_semaphore, #tpu.memory_space<semaphore_mem>>)
    %dma_start3A_441 = arith.constant 15 : i32
    %dma_start3A_442 = arith.constant 1 : i32
    %dma_start3A_443 = arith.constant 128 : i32
    %dma_start3A_444 = arith.constant 0 : i32
    %dma_start3A_445 = tpu.memref_slice %arg6[%dma_start3A_442, %dma_start3A_443, %dma_start3A_444] : memref<3x256x128xf32, #tpu.memory_space<vmem>> -> memref<1x128x128xf32, #tpu.memory_space<vmem>>
    %dma_start3A_446 = tpu.memref_squeeze %dma_start3A_445 : memref<1x128x128xf32, #tpu.memory_space<vmem>> -> memref<128x128xf32, #tpu.memory_space<vmem>>
    %dma_start3A_447 = arith.constant 0 : i32
    %dma_start3A_448 = tpu.memref_slice %arg5[%dma_start3A_441, %dma_start3A_447] : memref<20x128xi32, #tpu.memory_space<vmem>> -> memref<1x128xi32, #tpu.memory_space<vmem>>
    %dma_start3A_449 = tpu.memref_squeeze %dma_start3A_448 : memref<1x128xi32, #tpu.memory_space<vmem>> -> memref<128xi32, #tpu.memory_space<vmem>>
    %dma_start3A_450 = arith.constant 0 : i32
    %dma_start3A_451 = arith.constant 0 : i32
    %dma_start3A_452 = tpu.memref_slice %arg2[%dma_start3A_450, %dma_start3A_451] : memref<100000x128xf32, #tpu.memory_space<hbm>> -> memref<100000x128xf32, #tpu.memory_space<hbm>>
    tpu.enqueue_indirect_dma source(%dma_start3A_452 : memref<100000x128xf32, #tpu.memory_space<hbm>>) target(%dma_start3A_446 : memref<128x128xf32, #tpu.memory_space<vmem>>) offsets(%dma_start3A_449 : memref<128xi32, #tpu.memory_space<vmem>>) semaphore(%arg8 : memref<!tpu.dma_semaphore, #tpu.memory_space<semaphore_mem>>)
    %dma_wait3A_453 = arith.constant 10 : i32
    %dma_wait3A_454 = arith.constant 2 : i32
    %dma_wait3A_455 = arith.constant 0 : i32
    %dma_wait3A_456 = arith.constant 0 : i32
    %dma_wait3A_457 = tpu.memref_slice %arg6[%dma_wait3A_454, %dma_wait3A_455, %dma_wait3A_456] : memref<3x256x128xf32, #tpu.memory_space<vmem>> -> memref<1x128x128xf32, #tpu.memory_space<vmem>>
    %dma_wait3A_458 = tpu.memref_squeeze %dma_wait3A_457 : memref<1x128x128xf32, #tpu.memory_space<vmem>> -> memref<128x128xf32, #tpu.memory_space<vmem>>
    %dma_wait3A_459 = arith.constant 0 : i32
    %dma_wait3A_460 = tpu.memref_slice %arg5[%dma_wait3A_453, %dma_wait3A_459] : memref<20x128xi32, #tpu.memory_space<vmem>> -> memref<1x128xi32, #tpu.memory_space<vmem>>
    %dma_wait3A_461 = tpu.memref_squeeze %dma_wait3A_460 : memref<1x128xi32, #tpu.memory_space<vmem>> -> memref<128xi32, #tpu.memory_space<vmem>>
    %dma_wait3A_462 = arith.constant 0 : i32
    %dma_wait3A_463 = arith.constant 0 : i32
    %dma_wait3A_464 = tpu.memref_slice %arg2[%dma_wait3A_462, %dma_wait3A_463] : memref<100000x128xf32, #tpu.memory_space<hbm>> -> memref<100000x128xf32, #tpu.memory_space<hbm>>
    tpu.wait_indirect_dma semaphore(%arg9 : memref<!tpu.dma_semaphore, #tpu.memory_space<semaphore_mem>>) src(%dma_wait3A_464 : memref<100000x128xf32, #tpu.memory_space<hbm>>) dst(%dma_wait3A_458 : memref<128x128xf32, #tpu.memory_space<vmem>>)
    %dma_wait3A_465 = arith.constant 11 : i32
    %dma_wait3A_466 = arith.constant 2 : i32
    %dma_wait3A_467 = arith.constant 128 : i32
    %dma_wait3A_468 = arith.constant 0 : i32
    %dma_wait3A_469 = tpu.memref_slice %arg6[%dma_wait3A_466, %dma_wait3A_467, %dma_wait3A_468] : memref<3x256x128xf32, #tpu.memory_space<vmem>> -> memref<1x128x128xf32, #tpu.memory_space<vmem>>
    %dma_wait3A_470 = tpu.memref_squeeze %dma_wait3A_469 : memref<1x128x128xf32, #tpu.memory_space<vmem>> -> memref<128x128xf32, #tpu.memory_space<vmem>>
    %dma_wait3A_471 = arith.constant 0 : i32
    %dma_wait3A_472 = tpu.memref_slice %arg5[%dma_wait3A_465, %dma_wait3A_471] : memref<20x128xi32, #tpu.memory_space<vmem>> -> memref<1x128xi32, #tpu.memory_space<vmem>>
    %dma_wait3A_473 = tpu.memref_squeeze %dma_wait3A_472 : memref<1x128xi32, #tpu.memory_space<vmem>> -> memref<128xi32, #tpu.memory_space<vmem>>
    %dma_wait3A_474 = arith.constant 0 : i32
    %dma_wait3A_475 = arith.constant 0 : i32
    %dma_wait3A_476 = tpu.memref_slice %arg2[%dma_wait3A_474, %dma_wait3A_475] : memref<100000x128xf32, #tpu.memory_space<hbm>> -> memref<100000x128xf32, #tpu.memory_space<hbm>>
    tpu.wait_indirect_dma semaphore(%arg9 : memref<!tpu.dma_semaphore, #tpu.memory_space<semaphore_mem>>) src(%dma_wait3A_476 : memref<100000x128xf32, #tpu.memory_space<hbm>>) dst(%dma_wait3A_470 : memref<128x128xf32, #tpu.memory_space<vmem>>)
    %add3A_477 = arith.constant 1280 : i32
    %add3A_478 = arith.addi %mul3A_2, %add3A_477 : i32
    %dma_start3A_479 = arith.constant 2 : i32
    %dma_start3A_480 = arith.constant 0 : i32
    %dma_start3A_481 = arith.constant 0 : i32
    %dma_start3A_482 = tpu.memref_slice %arg6[%dma_start3A_479, %dma_start3A_480, %dma_start3A_481] : memref<3x256x128xf32, #tpu.memory_space<vmem>> -> memref<1x256x128xf32, #tpu.memory_space<vmem>>
    %dma_start3A_483 = tpu.memref_squeeze %dma_start3A_482 : memref<1x256x128xf32, #tpu.memory_space<vmem>> -> memref<256x128xf32, #tpu.memory_space<vmem>>
    %dma_start3A_484 = arith.constant 0 : i32
    %dma_start3A_485 = tpu.memref_slice %arg4[%add3A_478, %dma_start3A_484] : memref<81920x128xf32, #tpu.memory_space<hbm>> -> memref<256x128xf32, #tpu.memory_space<hbm>>
    %dma_start3A_486 = arith.constant 0 : i32
    %dma_start3A_487 = tpu.memref_slice %arg4[%add3A_478, %dma_start3A_486] : memref<81920x128xf32, #tpu.memory_space<hbm>> -> memref<256x128xf32, #tpu.memory_space<hbm>>
    %dma_start3A_488 = arith.constant 0 : i32
    %dma_start3A_489 = arith.constant 0 : i32
    %dma_start3A_490 = tpu.memref_slice %arg6[%dma_start3A_479, %dma_start3A_488, %dma_start3A_489] : memref<3x256x128xf32, #tpu.memory_space<vmem>> -> memref<1x256x128xf32, #tpu.memory_space<vmem>>
    %dma_start3A_491 = tpu.memref_squeeze %dma_start3A_490 : memref<1x256x128xf32, #tpu.memory_space<vmem>> -> memref<256x128xf32, #tpu.memory_space<vmem>>
    tpu.enqueue_dma source(%dma_start3A_491 : memref<256x128xf32, #tpu.memory_space<vmem>>) target(%dma_start3A_487 : memref<256x128xf32, #tpu.memory_space<hbm>>) target_semaphore(%arg12 : memref<!tpu.dma_semaphore, #tpu.memory_space<semaphore_mem>>)
    %dma_wait3A_492 = arith.constant 2 : i32
    %dma_wait3A_493 = arith.constant 0 : i32
    %dma_wait3A_494 = arith.constant 0 : i32
    %dma_wait3A_495 = tpu.memref_slice %arg6[%dma_wait3A_492, %dma_wait3A_493, %dma_wait3A_494] : memref<3x256x128xf32, #tpu.memory_space<vmem>> -> memref<1x256x128xf32, #tpu.memory_space<vmem>>
    %dma_wait3A_496 = tpu.memref_squeeze %dma_wait3A_495 : memref<1x256x128xf32, #tpu.memory_space<vmem>> -> memref<256x128xf32, #tpu.memory_space<vmem>>
    %dma_wait3A_497 = arith.constant 0 : i32
    %dma_wait3A_498 = tpu.memref_slice %arg4[%add3A_478, %dma_wait3A_497] : memref<81920x128xf32, #tpu.memory_space<hbm>> -> memref<256x128xf32, #tpu.memory_space<hbm>>
    %dma_wait3A_499 = arith.constant 0 : i32
    %dma_wait3A_500 = tpu.memref_slice %arg4[%add3A_478, %dma_wait3A_499] : memref<81920x128xf32, #tpu.memory_space<hbm>> -> memref<256x128xf32, #tpu.memory_space<hbm>>
    %dma_wait3A_501 = arith.constant 0 : i32
    %dma_wait3A_502 = arith.constant 0 : i32
    %dma_wait3A_503 = tpu.memref_slice %arg6[%dma_wait3A_492, %dma_wait3A_501, %dma_wait3A_502] : memref<3x256x128xf32, #tpu.memory_space<vmem>> -> memref<1x256x128xf32, #tpu.memory_space<vmem>>
    %dma_wait3A_504 = tpu.memref_squeeze %dma_wait3A_503 : memref<1x256x128xf32, #tpu.memory_space<vmem>> -> memref<256x128xf32, #tpu.memory_space<vmem>>
    tpu.wait_dma2 semaphore(%arg12 : memref<!tpu.dma_semaphore, #tpu.memory_space<semaphore_mem>>) src(%dma_wait3A_504 : memref<256x128xf32, #tpu.memory_space<vmem>>) dst(%dma_wait3A_500 : memref<256x128xf32, #tpu.memory_space<hbm>>)
    %dma_start3A_505 = arith.constant 16 : i32
    %dma_start3A_506 = arith.constant 2 : i32
    %dma_start3A_507 = arith.constant 0 : i32
    %dma_start3A_508 = arith.constant 0 : i32
    %dma_start3A_509 = tpu.memref_slice %arg6[%dma_start3A_506, %dma_start3A_507, %dma_start3A_508] : memref<3x256x128xf32, #tpu.memory_space<vmem>> -> memref<1x128x128xf32, #tpu.memory_space<vmem>>
    %dma_start3A_510 = tpu.memref_squeeze %dma_start3A_509 : memref<1x128x128xf32, #tpu.memory_space<vmem>> -> memref<128x128xf32, #tpu.memory_space<vmem>>
    %dma_start3A_511 = arith.constant 0 : i32
    %dma_start3A_512 = tpu.memref_slice %arg5[%dma_start3A_505, %dma_start3A_511] : memref<20x128xi32, #tpu.memory_space<vmem>> -> memref<1x128xi32, #tpu.memory_space<vmem>>
    %dma_start3A_513 = tpu.memref_squeeze %dma_start3A_512 : memref<1x128xi32, #tpu.memory_space<vmem>> -> memref<128xi32, #tpu.memory_space<vmem>>
    %dma_start3A_514 = arith.constant 0 : i32
    %dma_start3A_515 = arith.constant 0 : i32
    %dma_start3A_516 = tpu.memref_slice %arg2[%dma_start3A_514, %dma_start3A_515] : memref<100000x128xf32, #tpu.memory_space<hbm>> -> memref<100000x128xf32, #tpu.memory_space<hbm>>
    tpu.enqueue_indirect_dma source(%dma_start3A_516 : memref<100000x128xf32, #tpu.memory_space<hbm>>) target(%dma_start3A_510 : memref<128x128xf32, #tpu.memory_space<vmem>>) offsets(%dma_start3A_513 : memref<128xi32, #tpu.memory_space<vmem>>) semaphore(%arg9 : memref<!tpu.dma_semaphore, #tpu.memory_space<semaphore_mem>>)
    %dma_start3A_517 = arith.constant 17 : i32
    %dma_start3A_518 = arith.constant 2 : i32
    %dma_start3A_519 = arith.constant 128 : i32
    %dma_start3A_520 = arith.constant 0 : i32
    %dma_start3A_521 = tpu.memref_slice %arg6[%dma_start3A_518, %dma_start3A_519, %dma_start3A_520] : memref<3x256x128xf32, #tpu.memory_space<vmem>> -> memref<1x128x128xf32, #tpu.memory_space<vmem>>
    %dma_start3A_522 = tpu.memref_squeeze %dma_start3A_521 : memref<1x128x128xf32, #tpu.memory_space<vmem>> -> memref<128x128xf32, #tpu.memory_space<vmem>>
    %dma_start3A_523 = arith.constant 0 : i32
    %dma_start3A_524 = tpu.memref_slice %arg5[%dma_start3A_517, %dma_start3A_523] : memref<20x128xi32, #tpu.memory_space<vmem>> -> memref<1x128xi32, #tpu.memory_space<vmem>>
    %dma_start3A_525 = tpu.memref_squeeze %dma_start3A_524 : memref<1x128xi32, #tpu.memory_space<vmem>> -> memref<128xi32, #tpu.memory_space<vmem>>
    %dma_start3A_526 = arith.constant 0 : i32
    %dma_start3A_527 = arith.constant 0 : i32
    %dma_start3A_528 = tpu.memref_slice %arg2[%dma_start3A_526, %dma_start3A_527] : memref<100000x128xf32, #tpu.memory_space<hbm>> -> memref<100000x128xf32, #tpu.memory_space<hbm>>
    tpu.enqueue_indirect_dma source(%dma_start3A_528 : memref<100000x128xf32, #tpu.memory_space<hbm>>) target(%dma_start3A_522 : memref<128x128xf32, #tpu.memory_space<vmem>>) offsets(%dma_start3A_525 : memref<128xi32, #tpu.memory_space<vmem>>) semaphore(%arg9 : memref<!tpu.dma_semaphore, #tpu.memory_space<semaphore_mem>>)
    %dma_wait3A_529 = arith.constant 12 : i32
    %dma_wait3A_530 = arith.constant 0 : i32
    %dma_wait3A_531 = arith.constant 0 : i32
    %dma_wait3A_532 = arith.constant 0 : i32
    %dma_wait3A_533 = tpu.memref_slice %arg6[%dma_wait3A_530, %dma_wait3A_531, %dma_wait3A_532] : memref<3x256x128xf32, #tpu.memory_space<vmem>> -> memref<1x128x128xf32, #tpu.memory_space<vmem>>
    %dma_wait3A_534 = tpu.memref_squeeze %dma_wait3A_533 : memref<1x128x128xf32, #tpu.memory_space<vmem>> -> memref<128x128xf32, #tpu.memory_space<vmem>>
    %dma_wait3A_535 = arith.constant 0 : i32
    %dma_wait3A_536 = tpu.memref_slice %arg5[%dma_wait3A_529, %dma_wait3A_535] : memref<20x128xi32, #tpu.memory_space<vmem>> -> memref<1x128xi32, #tpu.memory_space<vmem>>
    %dma_wait3A_537 = tpu.memref_squeeze %dma_wait3A_536 : memref<1x128xi32, #tpu.memory_space<vmem>> -> memref<128xi32, #tpu.memory_space<vmem>>
    %dma_wait3A_538 = arith.constant 0 : i32
    %dma_wait3A_539 = arith.constant 0 : i32
    %dma_wait3A_540 = tpu.memref_slice %arg2[%dma_wait3A_538, %dma_wait3A_539] : memref<100000x128xf32, #tpu.memory_space<hbm>> -> memref<100000x128xf32, #tpu.memory_space<hbm>>
    tpu.wait_indirect_dma semaphore(%arg7 : memref<!tpu.dma_semaphore, #tpu.memory_space<semaphore_mem>>) src(%dma_wait3A_540 : memref<100000x128xf32, #tpu.memory_space<hbm>>) dst(%dma_wait3A_534 : memref<128x128xf32, #tpu.memory_space<vmem>>)
    %dma_wait3A_541 = arith.constant 13 : i32
    %dma_wait3A_542 = arith.constant 0 : i32
    %dma_wait3A_543 = arith.constant 128 : i32
    %dma_wait3A_544 = arith.constant 0 : i32
    %dma_wait3A_545 = tpu.memref_slice %arg6[%dma_wait3A_542, %dma_wait3A_543, %dma_wait3A_544] : memref<3x256x128xf32, #tpu.memory_space<vmem>> -> memref<1x128x128xf32, #tpu.memory_space<vmem>>
    %dma_wait3A_546 = tpu.memref_squeeze %dma_wait3A_545 : memref<1x128x128xf32, #tpu.memory_space<vmem>> -> memref<128x128xf32, #tpu.memory_space<vmem>>
    %dma_wait3A_547 = arith.constant 0 : i32
    %dma_wait3A_548 = tpu.memref_slice %arg5[%dma_wait3A_541, %dma_wait3A_547] : memref<20x128xi32, #tpu.memory_space<vmem>> -> memref<1x128xi32, #tpu.memory_space<vmem>>
    %dma_wait3A_549 = tpu.memref_squeeze %dma_wait3A_548 : memref<1x128xi32, #tpu.memory_space<vmem>> -> memref<128xi32, #tpu.memory_space<vmem>>
    %dma_wait3A_550 = arith.constant 0 : i32
    %dma_wait3A_551 = arith.constant 0 : i32
    %dma_wait3A_552 = tpu.memref_slice %arg2[%dma_wait3A_550, %dma_wait3A_551] : memref<100000x128xf32, #tpu.memory_space<hbm>> -> memref<100000x128xf32, #tpu.memory_space<hbm>>
    tpu.wait_indirect_dma semaphore(%arg7 : memref<!tpu.dma_semaphore, #tpu.memory_space<semaphore_mem>>) src(%dma_wait3A_552 : memref<100000x128xf32, #tpu.memory_space<hbm>>) dst(%dma_wait3A_546 : memref<128x128xf32, #tpu.memory_space<vmem>>)
    %add3A_553 = arith.constant 1536 : i32
    %add3A_554 = arith.addi %mul3A_2, %add3A_553 : i32
    %dma_start3A_555 = arith.constant 0 : i32
    %dma_start3A_556 = arith.constant 0 : i32
    %dma_start3A_557 = arith.constant 0 : i32
    %dma_start3A_558 = tpu.memref_slice %arg6[%dma_start3A_555, %dma_start3A_556, %dma_start3A_557] : memref<3x256x128xf32, #tpu.memory_space<vmem>> -> memref<1x256x128xf32, #tpu.memory_space<vmem>>
    %dma_start3A_559 = tpu.memref_squeeze %dma_start3A_558 : memref<1x256x128xf32, #tpu.memory_space<vmem>> -> memref<256x128xf32, #tpu.memory_space<vmem>>
    %dma_start3A_560 = arith.constant 0 : i32
    %dma_start3A_561 = tpu.memref_slice %arg4[%add3A_554, %dma_start3A_560] : memref<81920x128xf32, #tpu.memory_space<hbm>> -> memref<256x128xf32, #tpu.memory_space<hbm>>
    %dma_start3A_562 = arith.constant 0 : i32
    %dma_start3A_563 = tpu.memref_slice %arg4[%add3A_554, %dma_start3A_562] : memref<81920x128xf32, #tpu.memory_space<hbm>> -> memref<256x128xf32, #tpu.memory_space<hbm>>
    %dma_start3A_564 = arith.constant 0 : i32
    %dma_start3A_565 = arith.constant 0 : i32
    %dma_start3A_566 = tpu.memref_slice %arg6[%dma_start3A_555, %dma_start3A_564, %dma_start3A_565] : memref<3x256x128xf32, #tpu.memory_space<vmem>> -> memref<1x256x128xf32, #tpu.memory_space<vmem>>
    %dma_start3A_567 = tpu.memref_squeeze %dma_start3A_566 : memref<1x256x128xf32, #tpu.memory_space<vmem>> -> memref<256x128xf32, #tpu.memory_space<vmem>>
    tpu.enqueue_dma source(%dma_start3A_567 : memref<256x128xf32, #tpu.memory_space<vmem>>) target(%dma_start3A_563 : memref<256x128xf32, #tpu.memory_space<hbm>>) target_semaphore(%arg10 : memref<!tpu.dma_semaphore, #tpu.memory_space<semaphore_mem>>)
    %dma_wait3A_568 = arith.constant 0 : i32
    %dma_wait3A_569 = arith.constant 0 : i32
    %dma_wait3A_570 = arith.constant 0 : i32
    %dma_wait3A_571 = tpu.memref_slice %arg6[%dma_wait3A_568, %dma_wait3A_569, %dma_wait3A_570] : memref<3x256x128xf32, #tpu.memory_space<vmem>> -> memref<1x256x128xf32, #tpu.memory_space<vmem>>
    %dma_wait3A_572 = tpu.memref_squeeze %dma_wait3A_571 : memref<1x256x128xf32, #tpu.memory_space<vmem>> -> memref<256x128xf32, #tpu.memory_space<vmem>>
    %dma_wait3A_573 = arith.constant 0 : i32
    %dma_wait3A_574 = tpu.memref_slice %arg4[%add3A_554, %dma_wait3A_573] : memref<81920x128xf32, #tpu.memory_space<hbm>> -> memref<256x128xf32, #tpu.memory_space<hbm>>
    %dma_wait3A_575 = arith.constant 0 : i32
    %dma_wait3A_576 = tpu.memref_slice %arg4[%add3A_554, %dma_wait3A_575] : memref<81920x128xf32, #tpu.memory_space<hbm>> -> memref<256x128xf32, #tpu.memory_space<hbm>>
    %dma_wait3A_577 = arith.constant 0 : i32
    %dma_wait3A_578 = arith.constant 0 : i32
    %dma_wait3A_579 = tpu.memref_slice %arg6[%dma_wait3A_568, %dma_wait3A_577, %dma_wait3A_578] : memref<3x256x128xf32, #tpu.memory_space<vmem>> -> memref<1x256x128xf32, #tpu.memory_space<vmem>>
    %dma_wait3A_580 = tpu.memref_squeeze %dma_wait3A_579 : memref<1x256x128xf32, #tpu.memory_space<vmem>> -> memref<256x128xf32, #tpu.memory_space<vmem>>
    tpu.wait_dma2 semaphore(%arg10 : memref<!tpu.dma_semaphore, #tpu.memory_space<semaphore_mem>>) src(%dma_wait3A_580 : memref<256x128xf32, #tpu.memory_space<vmem>>) dst(%dma_wait3A_576 : memref<256x128xf32, #tpu.memory_space<hbm>>)
    %dma_start3A_581 = arith.constant 18 : i32
    %dma_start3A_582 = arith.constant 0 : i32
    %dma_start3A_583 = arith.constant 0 : i32
    %dma_start3A_584 = arith.constant 0 : i32
    %dma_start3A_585 = tpu.memref_slice %arg6[%dma_start3A_582, %dma_start3A_583, %dma_start3A_584] : memref<3x256x128xf32, #tpu.memory_space<vmem>> -> memref<1x128x128xf32, #tpu.memory_space<vmem>>
    %dma_start3A_586 = tpu.memref_squeeze %dma_start3A_585 : memref<1x128x128xf32, #tpu.memory_space<vmem>> -> memref<128x128xf32, #tpu.memory_space<vmem>>
    %dma_start3A_587 = arith.constant 0 : i32
    %dma_start3A_588 = tpu.memref_slice %arg5[%dma_start3A_581, %dma_start3A_587] : memref<20x128xi32, #tpu.memory_space<vmem>> -> memref<1x128xi32, #tpu.memory_space<vmem>>
    %dma_start3A_589 = tpu.memref_squeeze %dma_start3A_588 : memref<1x128xi32, #tpu.memory_space<vmem>> -> memref<128xi32, #tpu.memory_space<vmem>>
    %dma_start3A_590 = arith.constant 0 : i32
    %dma_start3A_591 = arith.constant 0 : i32
    %dma_start3A_592 = tpu.memref_slice %arg2[%dma_start3A_590, %dma_start3A_591] : memref<100000x128xf32, #tpu.memory_space<hbm>> -> memref<100000x128xf32, #tpu.memory_space<hbm>>
    tpu.enqueue_indirect_dma source(%dma_start3A_592 : memref<100000x128xf32, #tpu.memory_space<hbm>>) target(%dma_start3A_586 : memref<128x128xf32, #tpu.memory_space<vmem>>) offsets(%dma_start3A_589 : memref<128xi32, #tpu.memory_space<vmem>>) semaphore(%arg7 : memref<!tpu.dma_semaphore, #tpu.memory_space<semaphore_mem>>)
    %dma_start3A_593 = arith.constant 19 : i32
    %dma_start3A_594 = arith.constant 0 : i32
    %dma_start3A_595 = arith.constant 128 : i32
    %dma_start3A_596 = arith.constant 0 : i32
    %dma_start3A_597 = tpu.memref_slice %arg6[%dma_start3A_594, %dma_start3A_595, %dma_start3A_596] : memref<3x256x128xf32, #tpu.memory_space<vmem>> -> memref<1x128x128xf32, #tpu.memory_space<vmem>>
    %dma_start3A_598 = tpu.memref_squeeze %dma_start3A_597 : memref<1x128x128xf32, #tpu.memory_space<vmem>> -> memref<128x128xf32, #tpu.memory_space<vmem>>
    %dma_start3A_599 = arith.constant 0 : i32
    %dma_start3A_600 = tpu.memref_slice %arg5[%dma_start3A_593, %dma_start3A_599] : memref<20x128xi32, #tpu.memory_space<vmem>> -> memref<1x128xi32, #tpu.memory_space<vmem>>
    %dma_start3A_601 = tpu.memref_squeeze %dma_start3A_600 : memref<1x128xi32, #tpu.memory_space<vmem>> -> memref<128xi32, #tpu.memory_space<vmem>>
    %dma_start3A_602 = arith.constant 0 : i32
    %dma_start3A_603 = arith.constant 0 : i32
    %dma_start3A_604 = tpu.memref_slice %arg2[%dma_start3A_602, %dma_start3A_603] : memref<100000x128xf32, #tpu.memory_space<hbm>> -> memref<100000x128xf32, #tpu.memory_space<hbm>>
    tpu.enqueue_indirect_dma source(%dma_start3A_604 : memref<100000x128xf32, #tpu.memory_space<hbm>>) target(%dma_start3A_598 : memref<128x128xf32, #tpu.memory_space<vmem>>) offsets(%dma_start3A_601 : memref<128xi32, #tpu.memory_space<vmem>>) semaphore(%arg7 : memref<!tpu.dma_semaphore, #tpu.memory_space<semaphore_mem>>)
    %dma_wait3A_605 = arith.constant 14 : i32
    %dma_wait3A_606 = arith.constant 1 : i32
    %dma_wait3A_607 = arith.constant 0 : i32
    %dma_wait3A_608 = arith.constant 0 : i32
    %dma_wait3A_609 = tpu.memref_slice %arg6[%dma_wait3A_606, %dma_wait3A_607, %dma_wait3A_608] : memref<3x256x128xf32, #tpu.memory_space<vmem>> -> memref<1x128x128xf32, #tpu.memory_space<vmem>>
    %dma_wait3A_610 = tpu.memref_squeeze %dma_wait3A_609 : memref<1x128x128xf32, #tpu.memory_space<vmem>> -> memref<128x128xf32, #tpu.memory_space<vmem>>
    %dma_wait3A_611 = arith.constant 0 : i32
    %dma_wait3A_612 = tpu.memref_slice %arg5[%dma_wait3A_605, %dma_wait3A_611] : memref<20x128xi32, #tpu.memory_space<vmem>> -> memref<1x128xi32, #tpu.memory_space<vmem>>
    %dma_wait3A_613 = tpu.memref_squeeze %dma_wait3A_612 : memref<1x128xi32, #tpu.memory_space<vmem>> -> memref<128xi32, #tpu.memory_space<vmem>>
    %dma_wait3A_614 = arith.constant 0 : i32
    %dma_wait3A_615 = arith.constant 0 : i32
    %dma_wait3A_616 = tpu.memref_slice %arg2[%dma_wait3A_614, %dma_wait3A_615] : memref<100000x128xf32, #tpu.memory_space<hbm>> -> memref<100000x128xf32, #tpu.memory_space<hbm>>
    tpu.wait_indirect_dma semaphore(%arg8 : memref<!tpu.dma_semaphore, #tpu.memory_space<semaphore_mem>>) src(%dma_wait3A_616 : memref<100000x128xf32, #tpu.memory_space<hbm>>) dst(%dma_wait3A_610 : memref<128x128xf32, #tpu.memory_space<vmem>>)
    %dma_wait3A_617 = arith.constant 15 : i32
    %dma_wait3A_618 = arith.constant 1 : i32
    %dma_wait3A_619 = arith.constant 128 : i32
    %dma_wait3A_620 = arith.constant 0 : i32
    %dma_wait3A_621 = tpu.memref_slice %arg6[%dma_wait3A_618, %dma_wait3A_619, %dma_wait3A_620] : memref<3x256x128xf32, #tpu.memory_space<vmem>> -> memref<1x128x128xf32, #tpu.memory_space<vmem>>
    %dma_wait3A_622 = tpu.memref_squeeze %dma_wait3A_621 : memref<1x128x128xf32, #tpu.memory_space<vmem>> -> memref<128x128xf32, #tpu.memory_space<vmem>>
    %dma_wait3A_623 = arith.constant 0 : i32
    %dma_wait3A_624 = tpu.memref_slice %arg5[%dma_wait3A_617, %dma_wait3A_623] : memref<20x128xi32, #tpu.memory_space<vmem>> -> memref<1x128xi32, #tpu.memory_space<vmem>>
    %dma_wait3A_625 = tpu.memref_squeeze %dma_wait3A_624 : memref<1x128xi32, #tpu.memory_space<vmem>> -> memref<128xi32, #tpu.memory_space<vmem>>
    %dma_wait3A_626 = arith.constant 0 : i32
    %dma_wait3A_627 = arith.constant 0 : i32
    %dma_wait3A_628 = tpu.memref_slice %arg2[%dma_wait3A_626, %dma_wait3A_627] : memref<100000x128xf32, #tpu.memory_space<hbm>> -> memref<100000x128xf32, #tpu.memory_space<hbm>>
    tpu.wait_indirect_dma semaphore(%arg8 : memref<!tpu.dma_semaphore, #tpu.memory_space<semaphore_mem>>) src(%dma_wait3A_628 : memref<100000x128xf32, #tpu.memory_space<hbm>>) dst(%dma_wait3A_622 : memref<128x128xf32, #tpu.memory_space<vmem>>)
    %add3A_629 = arith.constant 1792 : i32
    %add3A_630 = arith.addi %mul3A_2, %add3A_629 : i32
    %dma_start3A_631 = arith.constant 1 : i32
    %dma_start3A_632 = arith.constant 0 : i32
    %dma_start3A_633 = arith.constant 0 : i32
    %dma_start3A_634 = tpu.memref_slice %arg6[%dma_start3A_631, %dma_start3A_632, %dma_start3A_633] : memref<3x256x128xf32, #tpu.memory_space<vmem>> -> memref<1x256x128xf32, #tpu.memory_space<vmem>>
    %dma_start3A_635 = tpu.memref_squeeze %dma_start3A_634 : memref<1x256x128xf32, #tpu.memory_space<vmem>> -> memref<256x128xf32, #tpu.memory_space<vmem>>
    %dma_start3A_636 = arith.constant 0 : i32
    %dma_start3A_637 = tpu.memref_slice %arg4[%add3A_630, %dma_start3A_636] : memref<81920x128xf32, #tpu.memory_space<hbm>> -> memref<256x128xf32, #tpu.memory_space<hbm>>
    %dma_start3A_638 = arith.constant 0 : i32
    %dma_start3A_639 = tpu.memref_slice %arg4[%add3A_630, %dma_start3A_638] : memref<81920x128xf32, #tpu.memory_space<hbm>> -> memref<256x128xf32, #tpu.memory_space<hbm>>
    %dma_start3A_640 = arith.constant 0 : i32
    %dma_start3A_641 = arith.constant 0 : i32
    %dma_start3A_642 = tpu.memref_slice %arg6[%dma_start3A_631, %dma_start3A_640, %dma_start3A_641] : memref<3x256x128xf32, #tpu.memory_space<vmem>> -> memref<1x256x128xf32, #tpu.memory_space<vmem>>
    %dma_start3A_643 = tpu.memref_squeeze %dma_start3A_642 : memref<1x256x128xf32, #tpu.memory_space<vmem>> -> memref<256x128xf32, #tpu.memory_space<vmem>>
    tpu.enqueue_dma source(%dma_start3A_643 : memref<256x128xf32, #tpu.memory_space<vmem>>) target(%dma_start3A_639 : memref<256x128xf32, #tpu.memory_space<hbm>>) target_semaphore(%arg11 : memref<!tpu.dma_semaphore, #tpu.memory_space<semaphore_mem>>)
    %dma_wait3A_644 = arith.constant 16 : i32
    %dma_wait3A_645 = arith.constant 2 : i32
    %dma_wait3A_646 = arith.constant 0 : i32
    %dma_wait3A_647 = arith.constant 0 : i32
    %dma_wait3A_648 = tpu.memref_slice %arg6[%dma_wait3A_645, %dma_wait3A_646, %dma_wait3A_647] : memref<3x256x128xf32, #tpu.memory_space<vmem>> -> memref<1x128x128xf32, #tpu.memory_space<vmem>>
    %dma_wait3A_649 = tpu.memref_squeeze %dma_wait3A_648 : memref<1x128x128xf32, #tpu.memory_space<vmem>> -> memref<128x128xf32, #tpu.memory_space<vmem>>
    %dma_wait3A_650 = arith.constant 0 : i32
    %dma_wait3A_651 = tpu.memref_slice %arg5[%dma_wait3A_644, %dma_wait3A_650] : memref<20x128xi32, #tpu.memory_space<vmem>> -> memref<1x128xi32, #tpu.memory_space<vmem>>
    %dma_wait3A_652 = tpu.memref_squeeze %dma_wait3A_651 : memref<1x128xi32, #tpu.memory_space<vmem>> -> memref<128xi32, #tpu.memory_space<vmem>>
    %dma_wait3A_653 = arith.constant 0 : i32
    %dma_wait3A_654 = arith.constant 0 : i32
    %dma_wait3A_655 = tpu.memref_slice %arg2[%dma_wait3A_653, %dma_wait3A_654] : memref<100000x128xf32, #tpu.memory_space<hbm>> -> memref<100000x128xf32, #tpu.memory_space<hbm>>
    tpu.wait_indirect_dma semaphore(%arg9 : memref<!tpu.dma_semaphore, #tpu.memory_space<semaphore_mem>>) src(%dma_wait3A_655 : memref<100000x128xf32, #tpu.memory_space<hbm>>) dst(%dma_wait3A_649 : memref<128x128xf32, #tpu.memory_space<vmem>>)
    %dma_wait3A_656 = arith.constant 17 : i32
    %dma_wait3A_657 = arith.constant 2 : i32
    %dma_wait3A_658 = arith.constant 128 : i32
    %dma_wait3A_659 = arith.constant 0 : i32
    %dma_wait3A_660 = tpu.memref_slice %arg6[%dma_wait3A_657, %dma_wait3A_658, %dma_wait3A_659] : memref<3x256x128xf32, #tpu.memory_space<vmem>> -> memref<1x128x128xf32, #tpu.memory_space<vmem>>
    %dma_wait3A_661 = tpu.memref_squeeze %dma_wait3A_660 : memref<1x128x128xf32, #tpu.memory_space<vmem>> -> memref<128x128xf32, #tpu.memory_space<vmem>>
    %dma_wait3A_662 = arith.constant 0 : i32
    %dma_wait3A_663 = tpu.memref_slice %arg5[%dma_wait3A_656, %dma_wait3A_662] : memref<20x128xi32, #tpu.memory_space<vmem>> -> memref<1x128xi32, #tpu.memory_space<vmem>>
    %dma_wait3A_664 = tpu.memref_squeeze %dma_wait3A_663 : memref<1x128xi32, #tpu.memory_space<vmem>> -> memref<128xi32, #tpu.memory_space<vmem>>
    %dma_wait3A_665 = arith.constant 0 : i32
    %dma_wait3A_666 = arith.constant 0 : i32
    %dma_wait3A_667 = tpu.memref_slice %arg2[%dma_wait3A_665, %dma_wait3A_666] : memref<100000x128xf32, #tpu.memory_space<hbm>> -> memref<100000x128xf32, #tpu.memory_space<hbm>>
    tpu.wait_indirect_dma semaphore(%arg9 : memref<!tpu.dma_semaphore, #tpu.memory_space<semaphore_mem>>) src(%dma_wait3A_667 : memref<100000x128xf32, #tpu.memory_space<hbm>>) dst(%dma_wait3A_661 : memref<128x128xf32, #tpu.memory_space<vmem>>)
    %add3A_668 = arith.constant 2048 : i32
    %add3A_669 = arith.addi %mul3A_2, %add3A_668 : i32
    %dma_start3A_670 = arith.constant 2 : i32
    %dma_start3A_671 = arith.constant 0 : i32
    %dma_start3A_672 = arith.constant 0 : i32
    %dma_start3A_673 = tpu.memref_slice %arg6[%dma_start3A_670, %dma_start3A_671, %dma_start3A_672] : memref<3x256x128xf32, #tpu.memory_space<vmem>> -> memref<1x256x128xf32, #tpu.memory_space<vmem>>
    %dma_start3A_674 = tpu.memref_squeeze %dma_start3A_673 : memref<1x256x128xf32, #tpu.memory_space<vmem>> -> memref<256x128xf32, #tpu.memory_space<vmem>>
    %dma_start3A_675 = arith.constant 0 : i32
    %dma_start3A_676 = tpu.memref_slice %arg4[%add3A_669, %dma_start3A_675] : memref<81920x128xf32, #tpu.memory_space<hbm>> -> memref<256x128xf32, #tpu.memory_space<hbm>>
    %dma_start3A_677 = arith.constant 0 : i32
    %dma_start3A_678 = tpu.memref_slice %arg4[%add3A_669, %dma_start3A_677] : memref<81920x128xf32, #tpu.memory_space<hbm>> -> memref<256x128xf32, #tpu.memory_space<hbm>>
    %dma_start3A_679 = arith.constant 0 : i32
    %dma_start3A_680 = arith.constant 0 : i32
    %dma_start3A_681 = tpu.memref_slice %arg6[%dma_start3A_670, %dma_start3A_679, %dma_start3A_680] : memref<3x256x128xf32, #tpu.memory_space<vmem>> -> memref<1x256x128xf32, #tpu.memory_space<vmem>>
    %dma_start3A_682 = tpu.memref_squeeze %dma_start3A_681 : memref<1x256x128xf32, #tpu.memory_space<vmem>> -> memref<256x128xf32, #tpu.memory_space<vmem>>
    tpu.enqueue_dma source(%dma_start3A_682 : memref<256x128xf32, #tpu.memory_space<vmem>>) target(%dma_start3A_678 : memref<256x128xf32, #tpu.memory_space<hbm>>) target_semaphore(%arg12 : memref<!tpu.dma_semaphore, #tpu.memory_space<semaphore_mem>>)
    %dma_wait3A_683 = arith.constant 18 : i32
    %dma_wait3A_684 = arith.constant 0 : i32
    %dma_wait3A_685 = arith.constant 0 : i32
    %dma_wait3A_686 = arith.constant 0 : i32
    %dma_wait3A_687 = tpu.memref_slice %arg6[%dma_wait3A_684, %dma_wait3A_685, %dma_wait3A_686] : memref<3x256x128xf32, #tpu.memory_space<vmem>> -> memref<1x128x128xf32, #tpu.memory_space<vmem>>
    %dma_wait3A_688 = tpu.memref_squeeze %dma_wait3A_687 : memref<1x128x128xf32, #tpu.memory_space<vmem>> -> memref<128x128xf32, #tpu.memory_space<vmem>>
    %dma_wait3A_689 = arith.constant 0 : i32
    %dma_wait3A_690 = tpu.memref_slice %arg5[%dma_wait3A_683, %dma_wait3A_689] : memref<20x128xi32, #tpu.memory_space<vmem>> -> memref<1x128xi32, #tpu.memory_space<vmem>>
    %dma_wait3A_691 = tpu.memref_squeeze %dma_wait3A_690 : memref<1x128xi32, #tpu.memory_space<vmem>> -> memref<128xi32, #tpu.memory_space<vmem>>
    %dma_wait3A_692 = arith.constant 0 : i32
    %dma_wait3A_693 = arith.constant 0 : i32
    %dma_wait3A_694 = tpu.memref_slice %arg2[%dma_wait3A_692, %dma_wait3A_693] : memref<100000x128xf32, #tpu.memory_space<hbm>> -> memref<100000x128xf32, #tpu.memory_space<hbm>>
    tpu.wait_indirect_dma semaphore(%arg7 : memref<!tpu.dma_semaphore, #tpu.memory_space<semaphore_mem>>) src(%dma_wait3A_694 : memref<100000x128xf32, #tpu.memory_space<hbm>>) dst(%dma_wait3A_688 : memref<128x128xf32, #tpu.memory_space<vmem>>)
    %dma_wait3A_695 = arith.constant 19 : i32
    %dma_wait3A_696 = arith.constant 0 : i32
    %dma_wait3A_697 = arith.constant 128 : i32
    %dma_wait3A_698 = arith.constant 0 : i32
    %dma_wait3A_699 = tpu.memref_slice %arg6[%dma_wait3A_696, %dma_wait3A_697, %dma_wait3A_698] : memref<3x256x128xf32, #tpu.memory_space<vmem>> -> memref<1x128x128xf32, #tpu.memory_space<vmem>>
    %dma_wait3A_700 = tpu.memref_squeeze %dma_wait3A_699 : memref<1x128x128xf32, #tpu.memory_space<vmem>> -> memref<128x128xf32, #tpu.memory_space<vmem>>
    %dma_wait3A_701 = arith.constant 0 : i32
    %dma_wait3A_702 = tpu.memref_slice %arg5[%dma_wait3A_695, %dma_wait3A_701] : memref<20x128xi32, #tpu.memory_space<vmem>> -> memref<1x128xi32, #tpu.memory_space<vmem>>
    %dma_wait3A_703 = tpu.memref_squeeze %dma_wait3A_702 : memref<1x128xi32, #tpu.memory_space<vmem>> -> memref<128xi32, #tpu.memory_space<vmem>>
    %dma_wait3A_704 = arith.constant 0 : i32
    %dma_wait3A_705 = arith.constant 0 : i32
    %dma_wait3A_706 = tpu.memref_slice %arg2[%dma_wait3A_704, %dma_wait3A_705] : memref<100000x128xf32, #tpu.memory_space<hbm>> -> memref<100000x128xf32, #tpu.memory_space<hbm>>
    tpu.wait_indirect_dma semaphore(%arg7 : memref<!tpu.dma_semaphore, #tpu.memory_space<semaphore_mem>>) src(%dma_wait3A_706 : memref<100000x128xf32, #tpu.memory_space<hbm>>) dst(%dma_wait3A_700 : memref<128x128xf32, #tpu.memory_space<vmem>>)
    %add3A_707 = arith.constant 2304 : i32
    %add3A_708 = arith.addi %mul3A_2, %add3A_707 : i32
    %dma_start3A_709 = arith.constant 0 : i32
    %dma_start3A_710 = arith.constant 0 : i32
    %dma_start3A_711 = arith.constant 0 : i32
    %dma_start3A_712 = tpu.memref_slice %arg6[%dma_start3A_709, %dma_start3A_710, %dma_start3A_711] : memref<3x256x128xf32, #tpu.memory_space<vmem>> -> memref<1x256x128xf32, #tpu.memory_space<vmem>>
    %dma_start3A_713 = tpu.memref_squeeze %dma_start3A_712 : memref<1x256x128xf32, #tpu.memory_space<vmem>> -> memref<256x128xf32, #tpu.memory_space<vmem>>
    %dma_start3A_714 = arith.constant 0 : i32
    %dma_start3A_715 = tpu.memref_slice %arg4[%add3A_708, %dma_start3A_714] : memref<81920x128xf32, #tpu.memory_space<hbm>> -> memref<256x128xf32, #tpu.memory_space<hbm>>
    %dma_start3A_716 = arith.constant 0 : i32
    %dma_start3A_717 = tpu.memref_slice %arg4[%add3A_708, %dma_start3A_716] : memref<81920x128xf32, #tpu.memory_space<hbm>> -> memref<256x128xf32, #tpu.memory_space<hbm>>
    %dma_start3A_718 = arith.constant 0 : i32
    %dma_start3A_719 = arith.constant 0 : i32
    %dma_start3A_720 = tpu.memref_slice %arg6[%dma_start3A_709, %dma_start3A_718, %dma_start3A_719] : memref<3x256x128xf32, #tpu.memory_space<vmem>> -> memref<1x256x128xf32, #tpu.memory_space<vmem>>
    %dma_start3A_721 = tpu.memref_squeeze %dma_start3A_720 : memref<1x256x128xf32, #tpu.memory_space<vmem>> -> memref<256x128xf32, #tpu.memory_space<vmem>>
    tpu.enqueue_dma source(%dma_start3A_721 : memref<256x128xf32, #tpu.memory_space<vmem>>) target(%dma_start3A_717 : memref<256x128xf32, #tpu.memory_space<hbm>>) target_semaphore(%arg10 : memref<!tpu.dma_semaphore, #tpu.memory_space<semaphore_mem>>)
    %dma_wait3A_722 = arith.constant 1 : i32
    %dma_wait3A_723 = arith.constant 0 : i32
    %dma_wait3A_724 = arith.constant 0 : i32
    %dma_wait3A_725 = tpu.memref_slice %arg6[%dma_wait3A_722, %dma_wait3A_723, %dma_wait3A_724] : memref<3x256x128xf32, #tpu.memory_space<vmem>> -> memref<1x256x128xf32, #tpu.memory_space<vmem>>
    %dma_wait3A_726 = tpu.memref_squeeze %dma_wait3A_725 : memref<1x256x128xf32, #tpu.memory_space<vmem>> -> memref<256x128xf32, #tpu.memory_space<vmem>>
    %dma_wait3A_727 = arith.constant 0 : i32
    %dma_wait3A_728 = tpu.memref_slice %arg4[%add3A_630, %dma_wait3A_727] : memref<81920x128xf32, #tpu.memory_space<hbm>> -> memref<256x128xf32, #tpu.memory_space<hbm>>
    %dma_wait3A_729 = arith.constant 0 : i32
    %dma_wait3A_730 = tpu.memref_slice %arg4[%add3A_630, %dma_wait3A_729] : memref<81920x128xf32, #tpu.memory_space<hbm>> -> memref<256x128xf32, #tpu.memory_space<hbm>>
    %dma_wait3A_731 = arith.constant 0 : i32
    %dma_wait3A_732 = arith.constant 0 : i32
    %dma_wait3A_733 = tpu.memref_slice %arg6[%dma_wait3A_722, %dma_wait3A_731, %dma_wait3A_732] : memref<3x256x128xf32, #tpu.memory_space<vmem>> -> memref<1x256x128xf32, #tpu.memory_space<vmem>>
    %dma_wait3A_734 = tpu.memref_squeeze %dma_wait3A_733 : memref<1x256x128xf32, #tpu.memory_space<vmem>> -> memref<256x128xf32, #tpu.memory_space<vmem>>
    tpu.wait_dma2 semaphore(%arg11 : memref<!tpu.dma_semaphore, #tpu.memory_space<semaphore_mem>>) src(%dma_wait3A_734 : memref<256x128xf32, #tpu.memory_space<vmem>>) dst(%dma_wait3A_730 : memref<256x128xf32, #tpu.memory_space<hbm>>)
    %dma_wait3A_735 = arith.constant 2 : i32
    %dma_wait3A_736 = arith.constant 0 : i32
    %dma_wait3A_737 = arith.constant 0 : i32
    %dma_wait3A_738 = tpu.memref_slice %arg6[%dma_wait3A_735, %dma_wait3A_736, %dma_wait3A_737] : memref<3x256x128xf32, #tpu.memory_space<vmem>> -> memref<1x256x128xf32, #tpu.memory_space<vmem>>
    %dma_wait3A_739 = tpu.memref_squeeze %dma_wait3A_738 : memref<1x256x128xf32, #tpu.memory_space<vmem>> -> memref<256x128xf32, #tpu.memory_space<vmem>>
    %dma_wait3A_740 = arith.constant 0 : i32
    %dma_wait3A_741 = tpu.memref_slice %arg4[%add3A_669, %dma_wait3A_740] : memref<81920x128xf32, #tpu.memory_space<hbm>> -> memref<256x128xf32, #tpu.memory_space<hbm>>
    %dma_wait3A_742 = arith.constant 0 : i32
    %dma_wait3A_743 = tpu.memref_slice %arg4[%add3A_669, %dma_wait3A_742] : memref<81920x128xf32, #tpu.memory_space<hbm>> -> memref<256x128xf32, #tpu.memory_space<hbm>>
    %dma_wait3A_744 = arith.constant 0 : i32
    %dma_wait3A_745 = arith.constant 0 : i32
    %dma_wait3A_746 = tpu.memref_slice %arg6[%dma_wait3A_735, %dma_wait3A_744, %dma_wait3A_745] : memref<3x256x128xf32, #tpu.memory_space<vmem>> -> memref<1x256x128xf32, #tpu.memory_space<vmem>>
    %dma_wait3A_747 = tpu.memref_squeeze %dma_wait3A_746 : memref<1x256x128xf32, #tpu.memory_space<vmem>> -> memref<256x128xf32, #tpu.memory_space<vmem>>
    tpu.wait_dma2 semaphore(%arg12 : memref<!tpu.dma_semaphore, #tpu.memory_space<semaphore_mem>>) src(%dma_wait3A_747 : memref<256x128xf32, #tpu.memory_space<vmem>>) dst(%dma_wait3A_743 : memref<256x128xf32, #tpu.memory_space<hbm>>)
    %dma_wait3A_748 = arith.constant 0 : i32
    %dma_wait3A_749 = arith.constant 0 : i32
    %dma_wait3A_750 = arith.constant 0 : i32
    %dma_wait3A_751 = tpu.memref_slice %arg6[%dma_wait3A_748, %dma_wait3A_749, %dma_wait3A_750] : memref<3x256x128xf32, #tpu.memory_space<vmem>> -> memref<1x256x128xf32, #tpu.memory_space<vmem>>
    %dma_wait3A_752 = tpu.memref_squeeze %dma_wait3A_751 : memref<1x256x128xf32, #tpu.memory_space<vmem>> -> memref<256x128xf32, #tpu.memory_space<vmem>>
    %dma_wait3A_753 = arith.constant 0 : i32
    %dma_wait3A_754 = tpu.memref_slice %arg4[%add3A_708, %dma_wait3A_753] : memref<81920x128xf32, #tpu.memory_space<hbm>> -> memref<256x128xf32, #tpu.memory_space<hbm>>
    %dma_wait3A_755 = arith.constant 0 : i32
    %dma_wait3A_756 = tpu.memref_slice %arg4[%add3A_708, %dma_wait3A_755] : memref<81920x128xf32, #tpu.memory_space<hbm>> -> memref<256x128xf32, #tpu.memory_space<hbm>>
    %dma_wait3A_757 = arith.constant 0 : i32
    %dma_wait3A_758 = arith.constant 0 : i32
    %dma_wait3A_759 = tpu.memref_slice %arg6[%dma_wait3A_748, %dma_wait3A_757, %dma_wait3A_758] : memref<3x256x128xf32, #tpu.memory_space<vmem>> -> memref<1x256x128xf32, #tpu.memory_space<vmem>>
    %dma_wait3A_760 = tpu.memref_squeeze %dma_wait3A_759 : memref<1x256x128xf32, #tpu.memory_space<vmem>> -> memref<256x128xf32, #tpu.memory_space<vmem>>
    tpu.wait_dma2 semaphore(%arg10 : memref<!tpu.dma_semaphore, #tpu.memory_space<semaphore_mem>>) src(%dma_wait3A_760 : memref<256x128xf32, #tpu.memory_space<vmem>>) dst(%dma_wait3A_756 : memref<256x128xf32, #tpu.memory_space<hbm>>)
    return
  }
}

</mosaic_0001>

<sc_bundles>
// kernel: kernel.3.cloned.1.call-start
scs
__scs_entry_jumppad:
0x0: {  	(pc) =	sbr.rel $0x88, $3  }
0x1: {  	(tag) =	ssettag $0x0;
	lr =	simm.s32 $0x1  }
0x2: {  	[smem:$0x3F9F] =	sst lr;
	_ =	strace $0xD0000000  }
0x3: {  	_ = 	snop  }
0x4: {  	_ = 	snop  }
0x5: {  	_ = 	snop  }
0x6: {  	_ = 	snop  }
0x7: {  	_ = 	snop  }
__scs_overlays_trampoline_lowered:
0x8: {  	[smem:$0x3FAE] =	sst s0  }
0x9: {  	[smem:$0x3FAF] =	sst s1  }
0xa: {  	[smem:$0x3FB0] =	sst s2  }
0xb: {  	[smem:$0x3FB1] =	sst s3  }
0xc: {  	[smem:$0x3FB2] =	sst s4  }
0xd: {  	[smem:$0x3FB3] =	sst s5  }
0xe: {  	[smem:$0x3FB4] =	sst s6  }
0xf: {  	[smem:$0x3FB5] =	sst s7  }
0x10: {  	[smem:$0x3FB6] =	sst s8  }
0x11: {  	[smem:$0x3FB7] =	sst s9;
	s0 =	simm.s32 @!p0 $0x0  }
0x12: {  	s1 =	sld [smem:$0x3F9D];
	s0 =	simm.s32 @p0 $0x1  }
0x13: {  	[smem:$0x3FB8] =	sst s0;
	s0 =	simm.s32 @!p1 $0x0  }
0x14: {  	s2 =	sld [smem:$0x3F9C];
	s0 =	simm.s32 @p1 $0x1  }
0x15: {  	[smem:$0x3FB9] =	sst s0;
	s0 =	simm.s32 @!p2 $0x0  }
0x16: {  	s3 =	sld [smem:$0x3FDB];
	s0 =	simm.s32 @p2 $0x1  }
0x17: {  	s4 =	simm.s32 $0x1BF5;
	[smem:$0x3FBB] =	sst s0  }
0x18: {  	s0 =	sld [smem:$0x3F9E];
	_ =	swait.ge [sflag:s4], $0x0  }
0x19: {  	s7 =	sld [smem:$0x3F9F]  }
0x1a: {  	s8 =	sadd.s32 $0xFFFFE003, lr  }
0x1b: {  	s9 =	sadd.s32 $0xFFFFFEF7, lr;
	s5 =	simm.s32 $0xFFFFFFFF;
	p2 =	slt.u32 s8, $0xFFFFF086  }
0x1c: {  	p1 =	slt.u32 s9, $0xF7A;
	s5 =	simm.s32 @!p2 $0x0  }
0x1d: {  	s5 =	simm.s32 @p1 $0x1;
	p0 =	seq.s32 s7, s2  }
0x1e: {  	s7 =	smul.u32 @!p0 $0xF7A, s2;
	p2 =	seq.s32 @!p0 s5, $0x0  }
0x1f: {  	s9 =	smul.u32 $0xF7A, s1;
	s8 =	simm.s32 @!p0 $0x1BF5;
	p2 =	por !p2, p0  }
0x20: {  	[sflag:s8] =	ssyncset.s32 @!p0 $0xFFFFF086;
	s6 =	sadd.s32 @!p0 s3, s7;
	s7 =	simm.s32 @!p0 $0x108  }
0x21: {  	s3 =	sadd.s32 s3, s9;
	s6 =	sadd.s32 @!p0 $0x88, s6;
	s7 =	simm.s32 @p2 $0x1082  }
0x22: {  	[simem:s7], [sflag:s8] =	dma.local @!p0 [hbm:s6], $0xF7A  }
0x23: {  	s9 =	sor.u32 $0xD0000000, s2;
	s6 =	simm.s32 $0x108;
	_ =	swait.ge @!p0 [sflag:s8], $0x0  }
0x24: {  	s3 =	sadd.s32 $0x88, s3;
	s6 =	simm.s32 @!p1 $0x1082;
	[sflag:s4] =	ssyncset.s32 $0xFFFFF086  }
0x25: {  	[simem:s6], [sflag:s4] =	dma.local [hbm:s3], $0xF7A  }
0x26: {  	[smem:$0x3F9F] =	sst s1;
	(tag) =	ssettag s2;
	_ =	strace s9  }
0x27: {  	s1 =	sld [smem:$0x3FAF]  }
0x28: {  	s2 =	sld [smem:$0x3FB0]  }
0x29: {  	s4 =	sld [smem:$0x3FB2]  }
0x2a: {  	p0 =	seq.s32 s5, $0x0;
	s5 =	sld [smem:$0x3FB3]  }
0x2b: {  	s6 =	sld [smem:$0x3FB4]  }
0x2c: {  	s7 =	sld [smem:$0x3FB5]  }
0x2d: {  	s3 =	simm.s32 $0x108;
	s8 =	sld [smem:$0x3FB6]  }
0x2e: {  	s3 =	simm.s32 @!p0 $0x1082;
	s9 =	sld [smem:$0x3FB7]  }
0x2f: {  	lr =	sadd.s32 s0, s3;
	s0 =	sld [smem:$0x3FAE]  }
0x30: {  	s3 =	sld [smem:$0x3FB1]  }
0x31: {  	[smem:$0x3FBA] =	sst s10  }
0x32: {  	s10 =	sld [smem:$0x3FB8];
	_ =	sdelay $0x3  }
0x33: {  	p0 =	seq.s32 s10, $0x1;
	s10 =	sld [smem:$0x3FBA];
	_ =	sdelay $0x3  }
0x34: {  	[smem:$0x3FBA] =	sst s10  }
0x35: {  	s10 =	sld [smem:$0x3FB9];
	_ =	sdelay $0x3  }
0x36: {  	p1 =	seq.s32 s10, $0x1;
	s10 =	sld [smem:$0x3FBA];
	_ =	sdelay $0x3  }
0x37: {  	[smem:$0x3FBA] =	sst s10  }
0x38: {  	s10 =	sld [smem:$0x3FBB]  }
0x39: {  	_ = 	snop;
	(pc) =	sbr.ind lr, $3  }
0x3a: {  	_ = 	snop  }
0x3b: {  	_ = 	snop  }
0x3c: {  	p2 =	seq.s32 s10, $0x1;
	s10 =	sld [smem:$0x3FBA]  }
0x3d: {  	_ =	shalt  }
0x3e: {  	_ =	shalt  }
0x3f: {  	_ =	shalt  }
0x40: {  	_ =	shalt  }
0x41: {  	_ =	shalt  }
0x42: {  	_ =	shalt  }
0x43: {  	_ =	shalt  }
0x44: {  	_ =	shalt  }
0x45: {  	_ =	shalt  }
0x46: {  	_ =	shalt  }
0x47: {  	_ =	shalt  }
0x48: {  	_ =	shalt  }
0x49: {  	_ =	shalt  }
0x4a: {  	_ =	shalt  }
0x4b: {  	_ =	shalt  }
0x4c: {  	_ =	shalt  }
0x4d: {  	_ =	shalt  }
0x4e: {  	_ =	shalt  }
0x4f: {  	_ =	shalt  }
0x50: {  	_ =	shalt  }
0x51: {  	_ =	shalt  }
0x52: {  	_ =	shalt  }
0x53: {  	_ =	shalt  }
0x54: {  	_ =	shalt  }
0x55: {  	_ =	shalt  }
0x56: {  	_ =	shalt  }
0x57: {  	_ =	shalt  }
0x58: {  	_ =	shalt  }
0x59: {  	_ =	shalt  }
0x5a: {  	_ =	shalt  }
0x5b: {  	_ =	shalt  }
0x5c: {  	_ =	shalt  }
0x5d: {  	_ =	shalt  }
0x5e: {  	_ =	shalt  }
0x5f: {  	_ =	shalt  }
0x60: {  	_ =	shalt  }
0x61: {  	_ =	shalt  }
0x62: {  	_ =	shalt  }
0x63: {  	_ =	shalt  }
0x64: {  	_ =	shalt  }
0x65: {  	_ =	shalt  }
0x66: {  	_ =	shalt  }
0x67: {  	_ =	shalt  }
0x68: {  	_ =	shalt  }
0x69: {  	_ =	shalt  }
0x6a: {  	_ =	shalt  }
0x6b: {  	_ =	shalt  }
0x6c: {  	_ =	shalt  }
0x6d: {  	_ =	shalt  }
0x6e: {  	_ =	shalt  }
0x6f: {  	_ =	shalt  }
0x70: {  	_ =	shalt  }
0x71: {  	_ =	shalt  }
0x72: {  	_ =	shalt  }
0x73: {  	_ =	shalt  }
0x74: {  	_ =	shalt  }
0x75: {  	_ =	shalt  }
0x76: {  	_ =	shalt  }
0x77: {  	_ =	shalt  }
0x78: {  	_ =	shalt  }
0x79: {  	_ =	shalt  }
0x7a: {  	_ =	shalt  }
0x7b: {  	_ =	shalt  }
0x7c: {  	_ =	shalt  }
0x7d: {  	_ =	shalt  }
0x7e: {  	_ =	shalt  }
0x7f: {  	_ =	shalt  }
0x80: {  	_ =	shalt  }
0x81: {  	_ =	shalt  }
0x82: {  	_ =	shalt  }
0x83: {  	_ =	shalt  }
0x84: {  	_ =	shalt  }
0x85: {  	_ =	shalt  }
0x86: {  	_ =	shalt  }
0x87: {  	_ =	shalt  }
.Lfunc_end0:
.L_simem_size_0:
called_computation_lowered:
.L_overlay_start_0:
0x88: {  	s2 =	sld [smem:$0x3FD9]  }
0x89: {  	s3 =	sld [smem:$0x3FFE];
	_ =	sdelay $0x1  }
0x8a: {  	s1 =	srdreg.scid  }
0x8b: {  	s0 =	sand.u32 $0x1, s1  }
0x8c: {  	s17 =	sshll.u32 s0, $0xA;
	s2 =	sadd.s32 s3, s2  }
0x8d: {  	s2 =	sadd.s32 s2, s17  }
0x8e: {  	[smem:$0x3FC6] =	sst s2  }
0x8f: {  	_ = 	snop  }
0x90: {  	s2 =	sld [smem:$0x3FC8]  }
0x91: {  	s18 =	sld [smem:$0x3FD0];
	(tm) =	ssettm $0x1  }
0x92: {  	s4 =	sld [smem:$0x3FFB];
	_ =	sdelay $0x3  }
0x93: {  	_ =	strace s4  }
0x94: {  	s4 =	sld [smem:$0x3FFC];
	_ =	sdelay $0x3  }
0x95: {  	_ =	strace s4  }
0x96: {  	s4 =	sld [smem:$0x3FFD];
	_ =	sdelay $0x3  }
0x97: {  	_ =	strace s4  }
0x98: {  	_ =	strace $0x8FFFFFFF  }
0x99: {  	s19 =	sld [smem:$0x3FDB];
	_ =	sdelay $0x1  }
0x9a: {  	s5 =	simm.s32 $_scs_section_size  }
0x9b: {  	s6 =	simm.s32 $_size__tile_overlayer_lowered;
	s7 =	simm.s32 $_tile_overlayer_lowered  }
0x9c: {  	s22 =	simm.s32 $0x1BFF;
	s21 =	sshll.u32 s7, $0x1;
	s4 =	sadd.s32 s5, s19  }
0x9d: {  	s8 =	simm.s32 $0x0;
	s20 =	sshll.u32 s6, $0x1;
	s6 =	sadd.s32 s21, s4  }
0x9e: {  	[timem:s8], [sflag:s22] =	dma.local [hbm:s6], s20  }
0x9f: {  	_ =	swait.ge [sflag:s22], s20  }
0xa0: {  	s5 =	ssub.s32 $0x0, s20;
	[sflag:s22] =	ssyncset.done $0x0  }
0xa1: {  	[sflag:s22] =	ssyncadd.s32 s5;
	_ =	sdelay $0x1  }
0xa2: {  	s23 =	simm.s32 $0x1B8B  }
0xa3: {  	_ =	swait.ge [sflag:s23], $0x1  }
0xa4: {  	[sflag:s23] =	ssyncset.done $0x0  }
0xa5: {  	s25 =	simm.s32 $0x1B8E;
	s24 =	sld [smem:$0x3FFE];
	[sflag:s23] =	ssyncadd.s32 $0xFFFFFFFF  }
0xa6: {  	s26 =	simm.s32 $execute0_lowered;
	[smem:$0x3FD2] =	sst s25  }
0xa7: {  	s6 =	sshll.u32 s26, $0x1;
	_ =	strace $0x80000046;
	[dreg:$0x1] =	wrdreg $0xFFFFFFFF  }
0xa8: {  	s28 =	simm.s32 $_size_execute0_lowered;
	s4 =	sadd.s32 s4, s6;
	[dreg:$0x0] =	wrdreg $0x0  }
0xa9: {  	s6 =	sshll.u32 s28, $0x1;
	[dreg:$0x2] =	wrdreg s4  }
0xaa: {  	[dreg:$0x3] =	wrdreg s6  }
0xab: {  	[dreg:$0x4] =	wrdreg $0xC0  }
0xac: {  	_ =	task [dreg:s8], $0x5FFFF  }
0xad: {  	[dreg:$0x1] =	wrdreg $0xFFFFFFFF  }
0xae: {  	[dreg:$0x0] =	wrdreg $0x60  }
0xaf: {  	[dreg:$0x2] =	wrdreg s2  }
0xb0: {  	[dreg:$0x3] =	wrdreg s24  }
0xb1: {  	[dreg:$0x4] =	wrdreg s18  }
0xb2: {  	[dreg:$0x5] =	wrdreg $0x9  }
0xb3: {  	_ =	task.clear_ibuf [dreg:s8], $0x6FFFF;
	_ =	strace $0x90000046  }
0xb4: {  	s29 =	simm.s32 $0x9;
	_ =	strace $0x80000048  }
0xb5: {  	_ =	swait.ge [sflag:s29], $0x1  }
0xb6: {  	[sflag:s29] =	ssyncadd.s32 $0xFFFFFFFF  }
0xb7: {  	_ =	strace $0x90000048  }
0xb8: {  	_ =	sfence  }
0xb9: {  	s30 =	sld [smem:$0x0];
	_ =	sdelay $0x2  }
0xba: {  	s31 =	sshll.u32 s1, $0xD;
	s1 =	sshrl.u32 s1, $0x2  }
0xbb: {  	s3 =	sand.u32 $0x4000, s31;
	s1 =	sadd.s32 s1, s30  }
0xbc: {  	s0 =	sor.u32 s3, s0;
	s1 =	sshll.u32 s1, $0x11  }
0xbd: {  	s0 =	sor.u32 s1, s0  }
0xbe: {  	s0 =	sadd.s32 $0x8F2B, s0  }
0xbf: {  	[sflag:s0] =	ssyncadd.remote.s32 $0x1  }
0xc0: {  	_ =	sfence.sel $0xFFFF  }
0xc1: {  	[dreg:$0x0] =	wrdreg $0xFFFFFFFF;
	(pc) =	sbr.abs _section_cstart, $3  }
0xc2: {  	[dreg:$0x1] =	wrdreg $0xFFFFFFFF  }
0xc3: {  	_ =	task.clear_ibuf [dreg:s8], $0x2FFFF;
	_ =	strace $0x9FFFFFFF  }
0xc4: {  	(tm) =	ssettm $0x7FFFFFFF  }
0xc5: {  	_ =	shalt  }
tec
execute0_lowered:
.L_overlay_start_1:
0x0: {  	(tag) =	ssettag $0x1  }
0x1: {  	s3 =	rddreg [dreg:$0x0]  }
0x2: {  	s0 =	srdreg.scid;
	s4 =	rddreg [dreg:$0x1]  }
0x3: {  	s17 =	stileid.u32;
	s5 =	rddreg [dreg:$0x2];
	s2 =	simm.s32 $0x0  }
0x4: {  	s31 =	simm.s32 $0x7;
	s20 =	simm.s32 $0x100;
	s22 =	simm.s32 $0x180  }
0x5: {  	s23 =	simm.s32 $0x200;
	s24 =	simm.s32 $0x280;
	s8 =	simm.s32 $0x10C00  }
0x6: {  	s25 =	simm.s32 $0x300;
	s26 =	simm.s32 $0x380;
	[smem:$0x7FF] =	sst s2  }
0x7: {  	s30 =	simm.s32 $0x480;
	_ =	strace $0x80000047;
	[dreg:$0xe] =	wrdreg s20  }
0x8: {  	s9 =	simm.s32 $0x6;
	s28 =	simm.s32 $0x500;
	[dreg:$0xf] =	wrdreg s22  }
0x9: {  	s29 =	simm.s32 $0x580;
	p0 =	por $0x0, $0x0;
	[dreg:$0x10] =	wrdreg s23  }
0xa: {  	s0 =	sand.u32 $0x1, s0;
	s1 =	sshll.u32 s17, $0x1;
	[dreg:$0x11] =	wrdreg s24  }
0xb: {  	s1 =	sor.u32 s0, s1;
	s0 =	ssub.s32 $0x2, s0;
	[dreg:$0x12] =	wrdreg s25  }
0xc: {  	[dreg:$0x13] =	wrdreg s26;
	s25 =	simm.s32 $0x600;
	s6 =	smul.u32 $0x180, s1  }
0xd: {  	s26 =	simm.s32 $0x680;
	s23 =	simm.s32 $0x700;
	s7 =	smul.u32 $0xA000, s1  }
0xe: {  	s24 =	simm.s32 $0x780;
	s20 =	simm.s32 $0x800;
	s1 =	smul.u32 $0x50000, s1  }
0xf: {  	s22 =	simm.s32 $0x880;
	s18 =	sshrl.u32 s0, $0x1;
	s4 =	sadd.s32 s6, s4  }
0x10: {  	s21 =	sadd.s32 s5, s7;
	s1 =	sshrl.u32 s1, $0x3;
	s4 =	sadd.s32 $0x400, s4  }
0x11: {  	s10 =	sadd.s32 $0x1000, s21;
	s1 =	sadd.s32 s5, s1;
	[dreg:$0x4] =	wrdreg s4  }
0x12: {  	s0 =	ssub.s32 s0, s18;
	[dreg:$0x5] =	wrdreg s10;
	s11 =	sadd.s32 $0x2000, s1  }
0x13: {  	s18 =	simm.s32 $0x900;
	s12 =	sadd.s32 $0x3000, s1;
	[dreg:$0x6] =	wrdreg s11  }
0x14: {  	s0 =	smax.u32 s0, $0x1;
	s13 =	sadd.s32 $0x4000, s1;
	[dreg:$0x7] =	wrdreg s12  }
0x15: {  	s6 =	simm.s32 $0x1;
	s14 =	sadd.s32 $0x5000, s1;
	[dreg:$0x8] =	wrdreg s13  }
0x16: {  	s7 =	simm.s32 $0x5;
	s15 =	sadd.s32 $0x6000, s1;
	[dreg:$0x9] =	wrdreg s14  }
0x17: {  	s5 =	simm.s32 $0x4;
	s16 =	sadd.s32 $0x7000, s1;
	[dreg:$0xa] =	wrdreg s15  }
0x18: {  	p1 =	sne.s32 s0, $0x1;
	s19 =	sadd.s32 $0x8000, s1;
	[dreg:$0xb] =	wrdreg s16  }
.Ltmp0:
0x19: {  	s1 =	sadd.s32 $0x9000, s1;
	[dreg:$0xc] =	wrdreg s19;
	(pc) =	sbr.rel @!p1 .LBB2_1-.Ltmp0, $4  }
0x1a: {  	s10 =	simm.s32 $0x80;
	s4 =	simm.s32 $0xC00;
	[dreg:$0xd] =	wrdreg s1  }
0x1b: {  	s12 =	simm.s32 $0x4C00;
	s11 =	simm.s32 $0x8C00;
	s16 =	simm.s32 $0xCC00  }
0x1c: {  	s15 =	simm.s32 $0x14C00;
	s14 =	simm.s32 $0x2;
	s13 =	simm.s32 $0x3  }
0x1d: {  	s1 =	sadd.s32 $0xFFFFFFFF, s0;
	s19 =	simm.s32 $0x980;
	s0 =	rddreg [dreg:$0x4]  }
0x1e: {  	[tilespmem:s2], [sflag:$0x7] =	stream.linear.gather [hbm4b:s0+s2], $0xA00, $0x38;
	[tilespmem:$0x18C00] =	vst v63  }
0x1f: {  	_ =	swait.ge [sflag:s31], $0xA00  }
0x20: {  	[sflag:s31] =	ssyncset.done $0x0  }
0x21: {  	[sflag:s31] =	ssyncadd.s32 $0xFFFFF600  }
0x22: {  	[tilespmem:s4], [sflag:$0x1] =	stream.indirect.gather [hbm4b:s3+s10], $0x80, s2, s10, $0xb8;
	[tilespmem:$0x18C00] =	vst v63  }
0x23: {  	_ = 	snop  }
0x24: {  	[tilespmem:s12], [sflag:$0x1] =	stream.indirect.gather [hbm4b:s3+s10], $0x80, s10, s10, $0xb8;
	[tilespmem:$0x18C00] =	vst v63  }
0x25: {  	s0 =	rddreg [dreg:$0xe]  }
0x26: {  	[tilespmem:s11], [sflag:$0x2] =	stream.indirect.gather [hbm4b:s3+s10], $0x80, s0, s10, $0xb8;
	[tilespmem:$0x18C00] =	vst v63  }
0x27: {  	s17 =	smov.u32 s1;
	s1 =	rddreg [dreg:$0xf]  }
0x28: {  	[tilespmem:s16], [sflag:$0x2] =	stream.indirect.gather [hbm4b:s3+s10], $0x80, s1, s10, $0xb8;
	[tilespmem:$0x18C00] =	vst v63  }
0x29: {  	s0 =	rddreg [dreg:$0x10]  }
0x2a: {  	[tilespmem:s8], [sflag:$0x3] =	stream.indirect.gather [hbm4b:s3+s10], $0x80, s0, s10, $0xb8;
	[tilespmem:$0x18C00] =	vst v63  }
0x2b: {  	s1 =	rddreg [dreg:$0x11]  }
0x2c: {  	[tilespmem:s15], [sflag:$0x3] =	stream.indirect.gather [hbm4b:s3+s10], $0x80, s1, s10, $0xb8;
	[tilespmem:$0x18C00] =	vst v63  }
0x2d: {  	_ =	swait.ge [sflag:s6], $0x4000  }
0x2e: {  	[sflag:s6] =	ssyncset.done $0x0  }
0x2f: {  	[sflag:s6] =	ssyncadd.s32 $0xFFFFC000  }
0x30: {  	_ =	swait.ge [sflag:s6], $0x4000  }
0x31: {  	[sflag:s6] =	ssyncset.done $0x0  }
0x32: {  	[sflag:s6] =	ssyncadd.s32 $0xFFFFC000  }
0x33: {  	[hbm4b:s21+s2] =	stream.linear.scatter [tilespmem:s4], [sflag:$0x4], $0x8000, $0x38;
	[tilespmem:$0x18C00] =	vst v63  }
0x34: {  	_ =	swait.ge [sflag:s5], $0x8000  }
0x35: {  	[sflag:s5] =	ssyncset.done $0x0  }
0x36: {  	s0 =	rddreg [dreg:$0x12];
	[sflag:s5] =	ssyncadd.s32 $0xFFFF8000  }
0x37: {  	[tilespmem:s4], [sflag:$0x1] =	stream.indirect.gather [hbm4b:s3+s10], $0x80, s0, s10, $0xb8;
	[tilespmem:$0x18C00] =	vst v63  }
0x38: {  	s1 =	rddreg [dreg:$0x13]  }
0x39: {  	[tilespmem:s12], [sflag:$0x1] =	stream.indirect.gather [hbm4b:s3+s10], $0x80, s1, s10, $0xb8;
	[tilespmem:$0x18C00] =	vst v63  }
0x3a: {  	_ =	swait.ge [sflag:s14], $0x4000  }
0x3b: {  	[sflag:s14] =	ssyncset.done $0x0  }
0x3c: {  	[sflag:s14] =	ssyncadd.s32 $0xFFFFC000  }
0x3d: {  	_ =	swait.ge [sflag:s14], $0x4000  }
0x3e: {  	[sflag:s14] =	ssyncset.done $0x0  }
0x3f: {  	s1 =	rddreg [dreg:$0x5];
	[sflag:s14] =	ssyncadd.s32 $0xFFFFC000  }
0x40: {  	[hbm4b:s1+s2] =	stream.linear.scatter [tilespmem:s11], [sflag:$0x5], $0x8000, $0x38;
	[tilespmem:$0x18C00] =	vst v63  }
0x41: {  	_ =	swait.ge [sflag:s7], $0x8000  }
0x42: {  	[sflag:s7] =	ssyncset.done $0x0  }
0x43: {  	s1 =	simm.s32 $0x400;
	[sflag:s7] =	ssyncadd.s32 $0xFFFF8000  }
0x44: {  	[tilespmem:s11], [sflag:$0x2] =	stream.indirect.gather [hbm4b:s3+s10], $0x80, s1, s10, $0xb8;
	[tilespmem:$0x18C00] =	vst v63  }
0x45: {  	_ = 	snop  }
0x46: {  	[tilespmem:s16], [sflag:$0x2] =	stream.indirect.gather [hbm4b:s3+s10], $0x80, s30, s10, $0xb8;
	[tilespmem:$0x18C00] =	vst v63  }
0x47: {  	_ =	swait.ge [sflag:s13], $0x4000  }
0x48: {  	[sflag:s13] =	ssyncset.done $0x0  }
0x49: {  	[sflag:s13] =	ssyncadd.s32 $0xFFFFC000  }
0x4a: {  	_ =	swait.ge [sflag:s13], $0x4000  }
0x4b: {  	[sflag:s13] =	ssyncset.done $0x0  }
0x4c: {  	s1 =	rddreg [dreg:$0x6];
	[sflag:s13] =	ssyncadd.s32 $0xFFFFC000  }
0x4d: {  	[hbm4b:s1+s2] =	stream.linear.scatter [tilespmem:s8], [sflag:$0x6], $0x8000, $0x38;
	[tilespmem:$0x18C00] =	vst v63  }
0x4e: {  	_ =	swait.ge [sflag:s9], $0x8000  }
0x4f: {  	[sflag:s9] =	ssyncset.done $0x0  }
0x50: {  	[sflag:s9] =	ssyncadd.s32 $0xFFFF8000  }
0x51: {  	[tilespmem:s8], [sflag:$0x3] =	stream.indirect.gather [hbm4b:s3+s10], $0x80, s28, s10, $0xb8;
	[tilespmem:$0x18C00] =	vst v63  }
0x52: {  	_ = 	snop  }
0x53: {  	[tilespmem:s15], [sflag:$0x3] =	stream.indirect.gather [hbm4b:s3+s10], $0x80, s29, s10, $0xb8;
	[tilespmem:$0x18C00] =	vst v63  }
0x54: {  	_ =	swait.ge [sflag:s6], $0x4000  }
0x55: {  	[sflag:s6] =	ssyncset.done $0x0  }
0x56: {  	[sflag:s6] =	ssyncadd.s32 $0xFFFFC000  }
0x57: {  	_ =	swait.ge [sflag:s6], $0x4000  }
0x58: {  	[sflag:s6] =	ssyncset.done $0x0  }
0x59: {  	s1 =	rddreg [dreg:$0x7];
	[sflag:s6] =	ssyncadd.s32 $0xFFFFC000  }
0x5a: {  	[hbm4b:s1+s2] =	stream.linear.scatter [tilespmem:s4], [sflag:$0x4], $0x8000, $0x38;
	[tilespmem:$0x18C00] =	vst v63  }
0x5b: {  	_ =	swait.ge [sflag:s5], $0x8000  }
0x5c: {  	[sflag:s5] =	ssyncset.done $0x0  }
0x5d: {  	[sflag:s5] =	ssyncadd.s32 $0xFFFF8000  }
0x5e: {  	[tilespmem:s4], [sflag:$0x1] =	stream.indirect.gather [hbm4b:s3+s10], $0x80, s25, s10, $0xb8;
	[tilespmem:$0x18C00] =	vst v63  }
0x5f: {  	_ = 	snop  }
0x60: {  	[tilespmem:s12], [sflag:$0x1] =	stream.indirect.gather [hbm4b:s3+s10], $0x80, s26, s10, $0xb8;
	[tilespmem:$0x18C00] =	vst v63  }
0x61: {  	_ =	swait.ge [sflag:s14], $0x4000  }
0x62: {  	[sflag:s14] =	ssyncset.done $0x0  }
0x63: {  	[sflag:s14] =	ssyncadd.s32 $0xFFFFC000  }
0x64: {  	_ =	swait.ge [sflag:s14], $0x4000  }
0x65: {  	[sflag:s14] =	ssyncset.done $0x0  }
0x66: {  	s1 =	rddreg [dreg:$0x8];
	[sflag:s14] =	ssyncadd.s32 $0xFFFFC000  }
0x67: {  	[hbm4b:s1+s2] =	stream.linear.scatter [tilespmem:s11], [sflag:$0x5], $0x8000, $0x38;
	[tilespmem:$0x18C00] =	vst v63  }
0x68: {  	_ =	swait.ge [sflag:s7], $0x8000  }
0x69: {  	[sflag:s7] =	ssyncset.done $0x0  }
0x6a: {  	[sflag:s7] =	ssyncadd.s32 $0xFFFF8000  }
0x6b: {  	[tilespmem:s11], [sflag:$0x2] =	stream.indirect.gather [hbm4b:s3+s10], $0x80, s23, s10, $0xb8;
	[tilespmem:$0x18C00] =	vst v63  }
0x6c: {  	_ = 	snop  }
0x6d: {  	[tilespmem:s16], [sflag:$0x2] =	stream.indirect.gather [hbm4b:s3+s10], $0x80, s24, s10, $0xb8;
	[tilespmem:$0x18C00] =	vst v63  }
0x6e: {  	_ =	swait.ge [sflag:s13], $0x4000  }
0x6f: {  	[sflag:s13] =	ssyncset.done $0x0  }
0x70: {  	[sflag:s13] =	ssyncadd.s32 $0xFFFFC000  }
0x71: {  	_ =	swait.ge [sflag:s13], $0x4000  }
0x72: {  	[sflag:s13] =	ssyncset.done $0x0  }
0x73: {  	s1 =	rddreg [dreg:$0x9];
	[sflag:s13] =	ssyncadd.s32 $0xFFFFC000  }
0x74: {  	[hbm4b:s1+s2] =	stream.linear.scatter [tilespmem:s8], [sflag:$0x6], $0x8000, $0x38;
	[tilespmem:$0x18C00] =	vst v63  }
0x75: {  	_ =	swait.ge [sflag:s9], $0x8000  }
0x76: {  	[sflag:s9] =	ssyncset.done $0x0  }
0x77: {  	[sflag:s9] =	ssyncadd.s32 $0xFFFF8000  }
0x78: {  	[tilespmem:s8], [sflag:$0x3] =	stream.indirect.gather [hbm4b:s3+s10], $0x80, s20, s10, $0xb8;
	[tilespmem:$0x18C00] =	vst v63  }
0x79: {  	_ = 	snop  }
0x7a: {  	[tilespmem:s15], [sflag:$0x3] =	stream.indirect.gather [hbm4b:s3+s10], $0x80, s22, s10, $0xb8;
	[tilespmem:$0x18C00] =	vst v63  }
0x7b: {  	_ =	swait.ge [sflag:s6], $0x4000  }
0x7c: {  	[sflag:s6] =	ssyncset.done $0x0  }
0x7d: {  	[sflag:s6] =	ssyncadd.s32 $0xFFFFC000  }
0x7e: {  	_ =	swait.ge [sflag:s6], $0x4000  }
0x7f: {  	[sflag:s6] =	ssyncset.done $0x0  }
0x80: {  	s1 =	rddreg [dreg:$0xa];
	[sflag:s6] =	ssyncadd.s32 $0xFFFFC000  }
0x81: {  	[hbm4b:s1+s2] =	stream.linear.scatter [tilespmem:s4], [sflag:$0x4], $0x8000, $0x38;
	[tilespmem:$0x18C00] =	vst v63  }
0x82: {  	_ =	swait.ge [sflag:s5], $0x8000  }
0x83: {  	[sflag:s5] =	ssyncset.done $0x0  }
0x84: {  	[sflag:s5] =	ssyncadd.s32 $0xFFFF8000  }
0x85: {  	[tilespmem:s4], [sflag:$0x1] =	stream.indirect.gather [hbm4b:s3+s10], $0x80, s18, s10, $0xb8;
	[tilespmem:$0x18C00] =	vst v63  }
0x86: {  	_ = 	snop  }
0x87: {  	[tilespmem:s12], [sflag:$0x1] =	stream.indirect.gather [hbm4b:s3+s10], $0x80, s19, s10, $0xb8;
	[tilespmem:$0x18C00] =	vst v63  }
0x88: {  	_ =	swait.ge [sflag:s14], $0x4000  }
0x89: {  	[sflag:s14] =	ssyncset.done $0x0  }
0x8a: {  	[sflag:s14] =	ssyncadd.s32 $0xFFFFC000  }
0x8b: {  	_ =	swait.ge [sflag:s14], $0x4000  }
0x8c: {  	[sflag:s14] =	ssyncset.done $0x0  }
0x8d: {  	s1 =	rddreg [dreg:$0xb];
	[sflag:s14] =	ssyncadd.s32 $0xFFFFC000  }
0x8e: {  	[hbm4b:s1+s2] =	stream.linear.scatter [tilespmem:s11], [sflag:$0x5], $0x8000, $0x38;
	[tilespmem:$0x18C00] =	vst v63  }
0x8f: {  	_ =	swait.ge [sflag:s13], $0x4000  }
0x90: {  	[sflag:s13] =	ssyncset.done $0x0  }
0x91: {  	[sflag:s13] =	ssyncadd.s32 $0xFFFFC000  }
0x92: {  	_ =	swait.ge [sflag:s13], $0x4000  }
0x93: {  	[sflag:s13] =	ssyncset.done $0x0  }
0x94: {  	s1 =	rddreg [dreg:$0xc];
	[sflag:s13] =	ssyncadd.s32 $0xFFFFC000  }
0x95: {  	[hbm4b:s1+s2] =	stream.linear.scatter [tilespmem:s8], [sflag:$0x6], $0x8000, $0x38;
	[tilespmem:$0x18C00] =	vst v63  }
0x96: {  	_ =	swait.ge [sflag:s6], $0x4000  }
0x97: {  	[sflag:s6] =	ssyncset.done $0x0  }
0x98: {  	[sflag:s6] =	ssyncadd.s32 $0xFFFFC000  }
0x99: {  	_ =	swait.ge [sflag:s6], $0x4000  }
0x9a: {  	[sflag:s6] =	ssyncset.done $0x0  }
0x9b: {  	s1 =	rddreg [dreg:$0xd];
	[sflag:s6] =	ssyncadd.s32 $0xFFFFC000  }
0x9c: {  	[hbm4b:s1+s2] =	stream.linear.scatter [tilespmem:s4], [sflag:$0x4], $0x8000, $0x38;
	[tilespmem:$0x18C00] =	vst v63  }
0x9d: {  	_ =	swait.ge [sflag:s7], $0x8000  }
0x9e: {  	[sflag:s7] =	ssyncset.done $0x0  }
0x9f: {  	p1 =	sne.s32 s17, $0x1;
	[sflag:s7] =	ssyncadd.s32 $0xFFFF8000  }
.Ltmp1:
0xa0: {  	_ =	swait.ge [sflag:s9], $0x8000;
	(pc) =	sbr.rel @!p1 .LBB2_3-.Ltmp1, $4  }
0xa1: {  	[sflag:s9] =	ssyncset.done $0x0  }
0xa2: {  	[sflag:s9] =	ssyncadd.s32 $0xFFFF8000  }
0xa3: {  	p0 =	por $0x1, $0x1;
	_ =	swait.ge [sflag:s5], $0x8000  }
0xa4: {  	s1 =	sadd.s32 $0xFFFFFFFF, s17;
	s0 =	rddreg [dreg:$0x4];
	[sflag:s5] =	ssyncset.done $0x0  }
.LBB2_4:
0xa5: {  	[sflag:s5] =	ssyncadd.s32 $0xFFFF8000  }
0xa6: {  	[tilespmem:s2], [sflag:$0x7] =	stream.linear.gather [hbm4b:s0+s2], $0xA00, $0x38;
	[tilespmem:$0x18C00] =	vst v63  }
0xa7: {  	_ =	swait.ge [sflag:s31], $0xA00  }
0xa8: {  	[sflag:s31] =	ssyncset.done $0x0  }
0xa9: {  	[sflag:s31] =	ssyncadd.s32 $0xFFFFF600  }
0xaa: {  	[tilespmem:s4], [sflag:$0x1] =	stream.indirect.gather [hbm4b:s3+s10], $0x80, s2, s10, $0xb8;
	[tilespmem:$0x18C00] =	vst v63  }
0xab: {  	_ = 	snop  }
0xac: {  	[tilespmem:s12], [sflag:$0x1] =	stream.indirect.gather [hbm4b:s3+s10], $0x80, s10, s10, $0xb8;
	[tilespmem:$0x18C00] =	vst v63  }
0xad: {  	s0 =	rddreg [dreg:$0xe]  }
0xae: {  	[tilespmem:s11], [sflag:$0x2] =	stream.indirect.gather [hbm4b:s3+s10], $0x80, s0, s10, $0xb8;
	[tilespmem:$0x18C00] =	vst v63  }
0xaf: {  	s17 =	rddreg [dreg:$0xf]  }
0xb0: {  	[tilespmem:s16], [sflag:$0x2] =	stream.indirect.gather [hbm4b:s3+s10], $0x80, s17, s10, $0xb8;
	[tilespmem:$0x18C00] =	vst v63  }
0xb1: {  	s0 =	rddreg [dreg:$0x10]  }
0xb2: {  	[tilespmem:s8], [sflag:$0x3] =	stream.indirect.gather [hbm4b:s3+s10], $0x80, s0, s10, $0xb8;
	[tilespmem:$0x18C00] =	vst v63  }
0xb3: {  	s17 =	rddreg [dreg:$0x11]  }
0xb4: {  	[tilespmem:s15], [sflag:$0x3] =	stream.indirect.gather [hbm4b:s3+s10], $0x80, s17, s10, $0xb8;
	[tilespmem:$0x18C00] =	vst v63  }
0xb5: {  	_ =	swait.ge [sflag:s6], $0x4000  }
0xb6: {  	[sflag:s6] =	ssyncset.done $0x0  }
0xb7: {  	[sflag:s6] =	ssyncadd.s32 $0xFFFFC000  }
0xb8: {  	_ =	swait.ge [sflag:s6], $0x4000  }
0xb9: {  	[sflag:s6] =	ssyncset.done $0x0  }
0xba: {  	[sflag:s6] =	ssyncadd.s32 $0xFFFFC000  }
0xbb: {  	[hbm4b:s21+s2] =	stream.linear.scatter [tilespmem:s4], [sflag:$0x4], $0x8000, $0x38;
	[tilespmem:$0x18C00] =	vst v63  }
0xbc: {  	_ =	swait.ge [sflag:s5], $0x8000  }
0xbd: {  	[sflag:s5] =	ssyncset.done $0x0  }
0xbe: {  	s0 =	rddreg [dreg:$0x12];
	[sflag:s5] =	ssyncadd.s32 $0xFFFF8000  }
0xbf: {  	[tilespmem:s4], [sflag:$0x1] =	stream.indirect.gather [hbm4b:s3+s10], $0x80, s0, s10, $0xb8;
	[tilespmem:$0x18C00] =	vst v63  }
0xc0: {  	s17 =	rddreg [dreg:$0x13]  }
0xc1: {  	[tilespmem:s12], [sflag:$0x1] =	stream.indirect.gather [hbm4b:s3+s10], $0x80, s17, s10, $0xb8;
	[tilespmem:$0x18C00] =	vst v63  }
0xc2: {  	_ =	swait.ge [sflag:s14], $0x4000  }
0xc3: {  	[sflag:s14] =	ssyncset.done $0x0  }
0xc4: {  	[sflag:s14] =	ssyncadd.s32 $0xFFFFC000  }
0xc5: {  	_ =	swait.ge [sflag:s14], $0x4000  }
0xc6: {  	[sflag:s14] =	ssyncset.done $0x0  }
0xc7: {  	s17 =	rddreg [dreg:$0x5];
	[sflag:s14] =	ssyncadd.s32 $0xFFFFC000  }
0xc8: {  	[hbm4b:s17+s2] =	stream.linear.scatter [tilespmem:s11], [sflag:$0x5], $0x8000, $0x38;
	[tilespmem:$0x18C00] =	vst v63  }
0xc9: {  	_ =	swait.ge [sflag:s7], $0x8000  }
0xca: {  	[sflag:s7] =	ssyncset.done $0x0  }
0xcb: {  	s17 =	simm.s32 $0x400;
	[sflag:s7] =	ssyncadd.s32 $0xFFFF8000  }
0xcc: {  	[tilespmem:s11], [sflag:$0x2] =	stream.indirect.gather [hbm4b:s3+s10], $0x80, s17, s10, $0xb8;
	[tilespmem:$0x18C00] =	vst v63  }
0xcd: {  	_ = 	snop  }
0xce: {  	[tilespmem:s16], [sflag:$0x2] =	stream.indirect.gather [hbm4b:s3+s10], $0x80, s30, s10, $0xb8;
	[tilespmem:$0x18C00] =	vst v63  }
0xcf: {  	_ =	swait.ge [sflag:s13], $0x4000  }
0xd0: {  	[sflag:s13] =	ssyncset.done $0x0  }
0xd1: {  	[sflag:s13] =	ssyncadd.s32 $0xFFFFC000  }
0xd2: {  	_ =	swait.ge [sflag:s13], $0x4000  }
0xd3: {  	[sflag:s13] =	ssyncset.done $0x0  }
0xd4: {  	s17 =	rddreg [dreg:$0x6];
	[sflag:s13] =	ssyncadd.s32 $0xFFFFC000  }
0xd5: {  	[hbm4b:s17+s2] =	stream.linear.scatter [tilespmem:s8], [sflag:$0x6], $0x8000, $0x38;
	[tilespmem:$0x18C00] =	vst v63  }
0xd6: {  	_ =	swait.ge [sflag:s9], $0x8000  }
0xd7: {  	[sflag:s9] =	ssyncset.done $0x0  }
0xd8: {  	[sflag:s9] =	ssyncadd.s32 $0xFFFF8000  }
0xd9: {  	[tilespmem:s8], [sflag:$0x3] =	stream.indirect.gather [hbm4b:s3+s10], $0x80, s28, s10, $0xb8;
	[tilespmem:$0x18C00] =	vst v63  }
0xda: {  	_ = 	snop  }
0xdb: {  	[tilespmem:s15], [sflag:$0x3] =	stream.indirect.gather [hbm4b:s3+s10], $0x80, s29, s10, $0xb8;
	[tilespmem:$0x18C00] =	vst v63  }
0xdc: {  	_ =	swait.ge [sflag:s6], $0x4000  }
0xdd: {  	[sflag:s6] =	ssyncset.done $0x0  }
0xde: {  	[sflag:s6] =	ssyncadd.s32 $0xFFFFC000  }
0xdf: {  	_ =	swait.ge [sflag:s6], $0x4000  }
0xe0: {  	[sflag:s6] =	ssyncset.done $0x0  }
0xe1: {  	s17 =	rddreg [dreg:$0x7];
	[sflag:s6] =	ssyncadd.s32 $0xFFFFC000  }
0xe2: {  	[hbm4b:s17+s2] =	stream.linear.scatter [tilespmem:s4], [sflag:$0x4], $0x8000, $0x38;
	[tilespmem:$0x18C00] =	vst v63  }
0xe3: {  	_ =	swait.ge [sflag:s5], $0x8000  }
0xe4: {  	[sflag:s5] =	ssyncset.done $0x0  }
0xe5: {  	[sflag:s5] =	ssyncadd.s32 $0xFFFF8000  }
0xe6: {  	[tilespmem:s4], [sflag:$0x1] =	stream.indirect.gather [hbm4b:s3+s10], $0x80, s25, s10, $0xb8;
	[tilespmem:$0x18C00] =	vst v63  }
0xe7: {  	_ = 	snop  }
0xe8: {  	[tilespmem:s12], [sflag:$0x1] =	stream.indirect.gather [hbm4b:s3+s10], $0x80, s26, s10, $0xb8;
	[tilespmem:$0x18C00] =	vst v63  }
0xe9: {  	_ =	swait.ge [sflag:s14], $0x4000  }
0xea: {  	[sflag:s14] =	ssyncset.done $0x0  }
0xeb: {  	[sflag:s14] =	ssyncadd.s32 $0xFFFFC000  }
0xec: {  	_ =	swait.ge [sflag:s14], $0x4000  }
0xed: {  	[sflag:s14] =	ssyncset.done $0x0  }
0xee: {  	s17 =	rddreg [dreg:$0x8];
	[sflag:s14] =	ssyncadd.s32 $0xFFFFC000  }
0xef: {  	[hbm4b:s17+s2] =	stream.linear.scatter [tilespmem:s11], [sflag:$0x5], $0x8000, $0x38;
	[tilespmem:$0x18C00] =	vst v63  }
0xf0: {  	_ =	swait.ge [sflag:s7], $0x8000  }
0xf1: {  	[sflag:s7] =	ssyncset.done $0x0  }
0xf2: {  	[sflag:s7] =	ssyncadd.s32 $0xFFFF8000  }
0xf3: {  	[tilespmem:s11], [sflag:$0x2] =	stream.indirect.gather [hbm4b:s3+s10], $0x80, s23, s10, $0xb8;
	[tilespmem:$0x18C00] =	vst v63  }
0xf4: {  	_ = 	snop  }
0xf5: {  	[tilespmem:s16], [sflag:$0x2] =	stream.indirect.gather [hbm4b:s3+s10], $0x80, s24, s10, $0xb8;
	[tilespmem:$0x18C00] =	vst v63  }
0xf6: {  	_ =	swait.ge [sflag:s13], $0x4000  }
0xf7: {  	[sflag:s13] =	ssyncset.done $0x0  }
0xf8: {  	[sflag:s13] =	ssyncadd.s32 $0xFFFFC000  }
0xf9: {  	_ =	swait.ge [sflag:s13], $0x4000  }
0xfa: {  	[sflag:s13] =	ssyncset.done $0x0  }
0xfb: {  	s17 =	rddreg [dreg:$0x9];
	[sflag:s13] =	ssyncadd.s32 $0xFFFFC000  }
0xfc: {  	[hbm4b:s17+s2] =	stream.linear.scatter [tilespmem:s8], [sflag:$0x6], $0x8000, $0x38;
	[tilespmem:$0x18C00] =	vst v63  }
0xfd: {  	_ =	swait.ge [sflag:s9], $0x8000  }
0xfe: {  	[sflag:s9] =	ssyncset.done $0x0  }
0xff: {  	[sflag:s9] =	ssyncadd.s32 $0xFFFF8000  }
0x100: {  	[tilespmem:s8], [sflag:$0x3] =	stream.indirect.gather [hbm4b:s3+s10], $0x80, s20, s10, $0xb8;
	[tilespmem:$0x18C00] =	vst v63  }
0x101: {  	_ = 	snop  }
0x102: {  	[tilespmem:s15], [sflag:$0x3] =	stream.indirect.gather [hbm4b:s3+s10], $0x80, s22, s10, $0xb8;
	[tilespmem:$0x18C00] =	vst v63  }
0x103: {  	_ =	swait.ge [sflag:s6], $0x4000  }
0x104: {  	[sflag:s6] =	ssyncset.done $0x0  }
0x105: {  	[sflag:s6] =	ssyncadd.s32 $0xFFFFC000  }
0x106: {  	_ =	swait.ge [sflag:s6], $0x4000  }
0x107: {  	[sflag:s6] =	ssyncset.done $0x0  }
0x108: {  	s17 =	rddreg [dreg:$0xa];
	[sflag:s6] =	ssyncadd.s32 $0xFFFFC000  }
0x109: {  	[hbm4b:s17+s2] =	stream.linear.scatter [tilespmem:s4], [sflag:$0x4], $0x8000, $0x38;
	[tilespmem:$0x18C00] =	vst v63  }
0x10a: {  	_ =	swait.ge [sflag:s5], $0x8000  }
0x10b: {  	[sflag:s5] =	ssyncset.done $0x0  }
0x10c: {  	[sflag:s5] =	ssyncadd.s32 $0xFFFF8000  }
0x10d: {  	[tilespmem:s4], [sflag:$0x1] =	stream.indirect.gather [hbm4b:s3+s10], $0x80, s18, s10, $0xb8;
	[tilespmem:$0x18C00] =	vst v63  }
0x10e: {  	_ = 	snop  }
0x10f: {  	[tilespmem:s12], [sflag:$0x1] =	stream.indirect.gather [hbm4b:s3+s10], $0x80, s19, s10, $0xb8;
	[tilespmem:$0x18C00] =	vst v63  }
0x110: {  	_ =	swait.ge [sflag:s14], $0x4000  }
0x111: {  	[sflag:s14] =	ssyncset.done $0x0  }
0x112: {  	[sflag:s14] =	ssyncadd.s32 $0xFFFFC000  }
0x113: {  	_ =	swait.ge [sflag:s14], $0x4000  }
0x114: {  	[sflag:s14] =	ssyncset.done $0x0  }
0x115: {  	s17 =	rddreg [dreg:$0xb];
	[sflag:s14] =	ssyncadd.s32 $0xFFFFC000  }
0x116: {  	[hbm4b:s17+s2] =	stream.linear.scatter [tilespmem:s11], [sflag:$0x5], $0x8000, $0x38;
	[tilespmem:$0x18C00] =	vst v63  }
0x117: {  	_ =	swait.ge [sflag:s13], $0x4000  }
0x118: {  	[sflag:s13] =	ssyncset.done $0x0  }
0x119: {  	[sflag:s13] =	ssyncadd.s32 $0xFFFFC000  }
0x11a: {  	_ =	swait.ge [sflag:s13], $0x4000  }
0x11b: {  	[sflag:s13] =	ssyncset.done $0x0  }
0x11c: {  	s17 =	rddreg [dreg:$0xc];
	[sflag:s13] =	ssyncadd.s32 $0xFFFFC000  }
0x11d: {  	[hbm4b:s17+s2] =	stream.linear.scatter [tilespmem:s8], [sflag:$0x6], $0x8000, $0x38;
	[tilespmem:$0x18C00] =	vst v63  }
0x11e: {  	_ =	swait.ge [sflag:s6], $0x4000  }
0x11f: {  	[sflag:s6] =	ssyncset.done $0x0  }
0x120: {  	[sflag:s6] =	ssyncadd.s32 $0xFFFFC000  }
0x121: {  	_ =	swait.ge [sflag:s6], $0x4000  }
0x122: {  	[sflag:s6] =	ssyncset.done $0x0  }
0x123: {  	s17 =	rddreg [dreg:$0xd];
	[sflag:s6] =	ssyncadd.s32 $0xFFFFC000  }
0x124: {  	[hbm4b:s17+s2] =	stream.linear.scatter [tilespmem:s4], [sflag:$0x4], $0x8000, $0x38;
	[tilespmem:$0x18C00] =	vst v63  }
0x125: {  	_ =	swait.ge [sflag:s7], $0x8000  }
0x126: {  	[sflag:s7] =	ssyncset.done $0x0  }
0x127: {  	p1 =	sne.s32 s1, $0x1;
	[sflag:s7] =	ssyncadd.s32 $0xFFFF8000  }
.Ltmp2:
0x128: {  	_ =	swait.ge [sflag:s9], $0x8000;
	(pc) =	sbr.rel @p1 .LBB2_4-.Ltmp2, $4  }
0x129: {  	[sflag:s9] =	ssyncset.done $0x0  }
0x12a: {  	[sflag:s9] =	ssyncadd.s32 $0xFFFF8000  }
0x12b: {  	_ =	swait.ge [sflag:s5], $0x8000  }
0x12c: {  	s1 =	sadd.s32 $0xFFFFFFFF, s1;
	s0 =	rddreg [dreg:$0x4];
	[sflag:s5] =	ssyncset.done $0x0  }
0x12d: {  	s19 =	simm.s32 $0x480;
	s30 =	simm.s32 $0x400;
	s29 =	simm.s32 $0x580  }
0x12e: {  	s28 =	simm.s32 $0x500;
	s26 =	simm.s32 $0x680;
	s25 =	simm.s32 $0x600  }
0x12f: {  	s24 =	simm.s32 $0x780;
	s23 =	simm.s32 $0x700;
	s22 =	simm.s32 $0x880  }
0x130: {  	s20 =	simm.s32 $0x800;
	s18 =	simm.s32 $0x900;
	s17 =	stileid.u32  }
.LBB2_6:
0x131: {  	[sflag:s5] =	ssyncadd.s32 @p0 $0xFFFF8000  }
0x132: {  	[tilespmem:s2], [sflag:$0x7] =	stream.linear.gather [hbm4b:s0+s2], $0xA00, $0x38;
	[tilespmem:$0x18C00] =	vst v63  }
0x133: {  	_ =	swait.ge [sflag:s31], $0xA00  }
0x134: {  	[sflag:s31] =	ssyncset.done $0x0  }
0x135: {  	[sflag:s31] =	ssyncadd.s32 $0xFFFFF600  }
0x136: {  	[tilespmem:s4], [sflag:$0x1] =	stream.indirect.gather [hbm4b:s3+s10], $0x80, s2, s10, $0xb8;
	[tilespmem:$0x18C00] =	vst v63  }
0x137: {  	_ = 	snop  }
0x138: {  	[tilespmem:s12], [sflag:$0x1] =	stream.indirect.gather [hbm4b:s3+s10], $0x80, s10, s10, $0xb8;
	[tilespmem:$0x18C00] =	vst v63  }
0x139: {  	s31 =	rddreg [dreg:$0xe]  }
0x13a: {  	[tilespmem:s11], [sflag:$0x2] =	stream.indirect.gather [hbm4b:s3+s10], $0x80, s31, s10, $0xb8;
	[tilespmem:$0x18C00] =	vst v63  }
0x13b: {  	s1 =	rddreg [dreg:$0xf]  }
0x13c: {  	[tilespmem:s16], [sflag:$0x2] =	stream.indirect.gather [hbm4b:s3+s10], $0x80, s1, s10, $0xb8;
	[tilespmem:$0x18C00] =	vst v63  }
0x13d: {  	s0 =	rddreg [dreg:$0x10]  }
0x13e: {  	[tilespmem:s8], [sflag:$0x3] =	stream.indirect.gather [hbm4b:s3+s10], $0x80, s0, s10, $0xb8;
	[tilespmem:$0x18C00] =	vst v63  }
0x13f: {  	s31 =	rddreg [dreg:$0x11]  }
0x140: {  	[tilespmem:s15], [sflag:$0x3] =	stream.indirect.gather [hbm4b:s3+s10], $0x80, s31, s10, $0xb8;
	[tilespmem:$0x18C00] =	vst v63  }
0x141: {  	_ =	swait.ge [sflag:s6], $0x4000  }
0x142: {  	[sflag:s6] =	ssyncset.done $0x0  }
0x143: {  	[sflag:s6] =	ssyncadd.s32 $0xFFFFC000  }
0x144: {  	_ =	swait.ge [sflag:s6], $0x4000  }
0x145: {  	[sflag:s6] =	ssyncset.done $0x0  }
0x146: {  	[sflag:s6] =	ssyncadd.s32 $0xFFFFC000  }
0x147: {  	[hbm4b:s21+s2] =	stream.linear.scatter [tilespmem:s4], [sflag:$0x4], $0x8000, $0x38;
	[tilespmem:$0x18C00] =	vst v63  }
0x148: {  	_ =	swait.ge [sflag:s5], $0x8000  }
0x149: {  	[sflag:s5] =	ssyncset.done $0x0  }
0x14a: {  	s1 =	rddreg [dreg:$0x12];
	[sflag:s5] =	ssyncadd.s32 $0xFFFF8000  }
0x14b: {  	[tilespmem:s4], [sflag:$0x1] =	stream.indirect.gather [hbm4b:s3+s10], $0x80, s1, s10, $0xb8;
	[tilespmem:$0x18C00] =	vst v63  }
0x14c: {  	s21 =	rddreg [dreg:$0x13]  }
0x14d: {  	[tilespmem:s12], [sflag:$0x1] =	stream.indirect.gather [hbm4b:s3+s10], $0x80, s21, s10, $0xb8;
	[tilespmem:$0x18C00] =	vst v63  }
0x14e: {  	_ =	swait.ge [sflag:s14], $0x4000  }
0x14f: {  	[sflag:s14] =	ssyncset.done $0x0  }
0x150: {  	[sflag:s14] =	ssyncadd.s32 $0xFFFFC000  }
0x151: {  	_ =	swait.ge [sflag:s14], $0x4000  }
0x152: {  	[sflag:s14] =	ssyncset.done $0x0  }
0x153: {  	s31 =	rddreg [dreg:$0x5];
	[sflag:s14] =	ssyncadd.s32 $0xFFFFC000  }
0x154: {  	[hbm4b:s31+s2] =	stream.linear.scatter [tilespmem:s11], [sflag:$0x5], $0x8000, $0x38;
	[tilespmem:$0x18C00] =	vst v63  }
0x155: {  	_ =	swait.ge [sflag:s7], $0x8000  }
0x156: {  	[sflag:s7] =	ssyncset.done $0x0  }
0x157: {  	[sflag:s7] =	ssyncadd.s32 $0xFFFF8000  }
0x158: {  	[tilespmem:s11], [sflag:$0x2] =	stream.indirect.gather [hbm4b:s3+s10], $0x80, s30, s10, $0xb8;
	[tilespmem:$0x18C00] =	vst v63  }
0x159: {  	_ = 	snop  }
0x15a: {  	[tilespmem:s16], [sflag:$0x2] =	stream.indirect.gather [hbm4b:s3+s10], $0x80, s19, s10, $0xb8;
	[tilespmem:$0x18C00] =	vst v63  }
0x15b: {  	_ =	swait.ge [sflag:s13], $0x4000  }
0x15c: {  	[sflag:s13] =	ssyncset.done $0x0  }
0x15d: {  	[sflag:s13] =	ssyncadd.s32 $0xFFFFC000  }
0x15e: {  	_ =	swait.ge [sflag:s13], $0x4000  }
0x15f: {  	[sflag:s13] =	ssyncset.done $0x0  }
0x160: {  	s1 =	rddreg [dreg:$0x6];
	[sflag:s13] =	ssyncadd.s32 $0xFFFFC000  }
0x161: {  	[hbm4b:s1+s2] =	stream.linear.scatter [tilespmem:s8], [sflag:$0x6], $0x8000, $0x38;
	[tilespmem:$0x18C00] =	vst v63  }
0x162: {  	_ =	swait.ge [sflag:s9], $0x8000  }
0x163: {  	[sflag:s9] =	ssyncset.done $0x0  }
0x164: {  	[sflag:s9] =	ssyncadd.s32 $0xFFFF8000  }
0x165: {  	[tilespmem:s8], [sflag:$0x3] =	stream.indirect.gather [hbm4b:s3+s10], $0x80, s28, s10, $0xb8;
	[tilespmem:$0x18C00] =	vst v63  }
0x166: {  	_ = 	snop  }
0x167: {  	[tilespmem:s15], [sflag:$0x3] =	stream.indirect.gather [hbm4b:s3+s10], $0x80, s29, s10, $0xb8;
	[tilespmem:$0x18C00] =	vst v63  }
0x168: {  	_ =	swait.ge [sflag:s6], $0x4000  }
0x169: {  	[sflag:s6] =	ssyncset.done $0x0  }
0x16a: {  	[sflag:s6] =	ssyncadd.s32 $0xFFFFC000  }
0x16b: {  	_ =	swait.ge [sflag:s6], $0x4000  }
0x16c: {  	[sflag:s6] =	ssyncset.done $0x0  }
0x16d: {  	s19 =	rddreg [dreg:$0x7];
	[sflag:s6] =	ssyncadd.s32 $0xFFFFC000  }
0x16e: {  	[hbm4b:s19+s2] =	stream.linear.scatter [tilespmem:s4], [sflag:$0x4], $0x8000, $0x38;
	[tilespmem:$0x18C00] =	vst v63  }
0x16f: {  	_ =	swait.ge [sflag:s5], $0x8000  }
0x170: {  	[sflag:s5] =	ssyncset.done $0x0  }
0x171: {  	[sflag:s5] =	ssyncadd.s32 $0xFFFF8000  }
0x172: {  	[tilespmem:s4], [sflag:$0x1] =	stream.indirect.gather [hbm4b:s3+s10], $0x80, s25, s10, $0xb8;
	[tilespmem:$0x18C00] =	vst v63  }
0x173: {  	_ = 	snop  }
0x174: {  	[tilespmem:s12], [sflag:$0x1] =	stream.indirect.gather [hbm4b:s3+s10], $0x80, s26, s10, $0xb8;
	[tilespmem:$0x18C00] =	vst v63  }
0x175: {  	_ =	swait.ge [sflag:s14], $0x4000  }
0x176: {  	[sflag:s14] =	ssyncset.done $0x0  }
0x177: {  	[sflag:s14] =	ssyncadd.s32 $0xFFFFC000  }
0x178: {  	_ =	swait.ge [sflag:s14], $0x4000  }
0x179: {  	[sflag:s14] =	ssyncset.done $0x0  }
0x17a: {  	s21 =	rddreg [dreg:$0x8];
	[sflag:s14] =	ssyncadd.s32 $0xFFFFC000  }
0x17b: {  	[hbm4b:s21+s2] =	stream.linear.scatter [tilespmem:s11], [sflag:$0x5], $0x8000, $0x38;
	[tilespmem:$0x18C00] =	vst v63  }
0x17c: {  	_ =	swait.ge [sflag:s7], $0x8000  }
0x17d: {  	[sflag:s7] =	ssyncset.done $0x0  }
0x17e: {  	[sflag:s7] =	ssyncadd.s32 $0xFFFF8000  }
0x17f: {  	[tilespmem:s11], [sflag:$0x2] =	stream.indirect.gather [hbm4b:s3+s10], $0x80, s23, s10, $0xb8;
	[tilespmem:$0x18C00] =	vst v63  }
0x180: {  	_ = 	snop  }
0x181: {  	[tilespmem:s16], [sflag:$0x2] =	stream.indirect.gather [hbm4b:s3+s10], $0x80, s24, s10, $0xb8;
	[tilespmem:$0x18C00] =	vst v63  }
0x182: {  	_ =	swait.ge [sflag:s13], $0x4000  }
0x183: {  	[sflag:s13] =	ssyncset.done $0x0  }
0x184: {  	[sflag:s13] =	ssyncadd.s32 $0xFFFFC000  }
0x185: {  	_ =	swait.ge [sflag:s13], $0x4000  }
0x186: {  	[sflag:s13] =	ssyncset.done $0x0  }
0x187: {  	s25 =	rddreg [dreg:$0x9];
	[sflag:s13] =	ssyncadd.s32 $0xFFFFC000  }
0x188: {  	[hbm4b:s25+s2] =	stream.linear.scatter [tilespmem:s8], [sflag:$0x6], $0x8000, $0x38;
	[tilespmem:$0x18C00] =	vst v63  }
0x189: {  	_ =	swait.ge [sflag:s9], $0x8000  }
0x18a: {  	[sflag:s9] =	ssyncset.done $0x0  }
0x18b: {  	[sflag:s9] =	ssyncadd.s32 $0xFFFF8000  }
0x18c: {  	[tilespmem:s8], [sflag:$0x3] =	stream.indirect.gather [hbm4b:s3+s10], $0x80, s20, s10, $0xb8;
	[tilespmem:$0x18C00] =	vst v63  }
0x18d: {  	_ = 	snop  }
0x18e: {  	[tilespmem:s15], [sflag:$0x3] =	stream.indirect.gather [hbm4b:s3+s10], $0x80, s22, s10, $0xb8;
	[tilespmem:$0x18C00] =	vst v63  }
0x18f: {  	_ =	swait.ge [sflag:s6], $0x4000  }
0x190: {  	[sflag:s6] =	ssyncset.done $0x0  }
0x191: {  	[sflag:s6] =	ssyncadd.s32 $0xFFFFC000  }
0x192: {  	_ =	swait.ge [sflag:s6], $0x4000  }
0x193: {  	[sflag:s6] =	ssyncset.done $0x0  }
0x194: {  	s26 =	rddreg [dreg:$0xa];
	[sflag:s6] =	ssyncadd.s32 $0xFFFFC000  }
0x195: {  	[hbm4b:s26+s2] =	stream.linear.scatter [tilespmem:s4], [sflag:$0x4], $0x8000, $0x38;
	[tilespmem:$0x18C00] =	vst v63  }
0x196: {  	_ =	swait.ge [sflag:s5], $0x8000  }
0x197: {  	[sflag:s5] =	ssyncset.done $0x0  }
0x198: {  	[sflag:s5] =	ssyncadd.s32 $0xFFFF8000  }
0x199: {  	[tilespmem:s4], [sflag:$0x1] =	stream.indirect.gather [hbm4b:s3+s10], $0x80, s18, s10, $0xb8;
	[tilespmem:$0x18C00] =	vst v63  }
0x19a: {  	s28 =	simm.s32 $0x980  }
0x19b: {  	[tilespmem:s12], [sflag:$0x1] =	stream.indirect.gather [hbm4b:s3+s10], $0x80, s28, s10, $0xb8;
	[tilespmem:$0x18C00] =	vst v63  }
0x19c: {  	_ =	swait.ge [sflag:s14], $0x4000  }
0x19d: {  	[sflag:s14] =	ssyncset.done $0x0  }
0x19e: {  	[sflag:s14] =	ssyncadd.s32 $0xFFFFC000  }
0x19f: {  	_ =	swait.ge [sflag:s14], $0x4000  }
0x1a0: {  	[sflag:s14] =	ssyncset.done $0x0  }
0x1a1: {  	s29 =	rddreg [dreg:$0xb];
	[sflag:s14] =	ssyncadd.s32 $0xFFFFC000  }
0x1a2: {  	[hbm4b:s29+s2] =	stream.linear.scatter [tilespmem:s11], [sflag:$0x5], $0x8000, $0x38;
	[tilespmem:$0x18C00] =	vst v63  }
0x1a3: {  	_ =	swait.ge [sflag:s13], $0x4000  }
0x1a4: {  	[sflag:s13] =	ssyncset.done $0x0  }
0x1a5: {  	[sflag:s13] =	ssyncadd.s32 $0xFFFFC000  }
0x1a6: {  	_ =	swait.ge [sflag:s13], $0x4000  }
0x1a7: {  	[sflag:s13] =	ssyncset.done $0x0  }
0x1a8: {  	s30 =	rddreg [dreg:$0xc];
	[sflag:s13] =	ssyncadd.s32 $0xFFFFC000  }
0x1a9: {  	[hbm4b:s30+s2] =	stream.linear.scatter [tilespmem:s8], [sflag:$0x6], $0x8000, $0x38;
	[tilespmem:$0x18C00] =	vst v63  }
0x1aa: {  	_ =	swait.ge [sflag:s6], $0x4000  }
0x1ab: {  	[sflag:s6] =	ssyncset.done $0x0  }
0x1ac: {  	[sflag:s6] =	ssyncadd.s32 $0xFFFFC000  }
0x1ad: {  	_ =	swait.ge [sflag:s6], $0x4000  }
0x1ae: {  	[sflag:s6] =	ssyncset.done $0x0  }
0x1af: {  	s31 =	rddreg [dreg:$0xd];
	[sflag:s6] =	ssyncadd.s32 $0xFFFFC000  }
0x1b0: {  	[hbm4b:s31+s2] =	stream.linear.scatter [tilespmem:s4], [sflag:$0x4], $0x8000, $0x38;
	[tilespmem:$0x18C00] =	vst v63  }
0x1b1: {  	_ =	swait.ge [sflag:s7], $0x8000  }
0x1b2: {  	[sflag:s7] =	ssyncset.done $0x0  }
0x1b3: {  	[sflag:s7] =	ssyncadd.s32 $0xFFFF8000  }
0x1b4: {  	_ =	swait.ge [sflag:s9], $0x8000  }
0x1b5: {  	[sflag:s9] =	ssyncset.done $0x0  }
0x1b6: {  	[sflag:s9] =	ssyncadd.s32 $0xFFFF8000  }
0x1b7: {  	_ =	swait.ge [sflag:s5], $0x8000  }
0x1b8: {  	[sflag:s5] =	ssyncset.done $0x0  }
0x1b9: {  	[sflag:s5] =	ssyncadd.s32 $0xFFFF8000  }
0x1ba: {  	_ =	sfence.sel $0x180000  }
0x1bb: {  	[bflag:$0x0] =	sbarrier.arrive $0xFFFF  }
0x1bc: {  	_ =	strace $0x90000047  }
0x1bd: {  	[bflag:$0x2] =	sbarrier.arrive $0xFFFF  }
0x1be: {  	p0 =	sne.s32 s17, $0x0;
	s0 =	rddreg [dreg:$0x3]  }
0x1bf: {  	s0 =	sadd.s32 @!p0 $0x100000, s0  }
0x1c0: {  	[sflag:s0] =	ssyncadd.tile.s32 @!p0 $0x1;
	_ =	shalt  }
.LBB2_1:
.Ltmp3:
0x1c1: {  	(pc) =	sbr.rel .LBB2_6-.Ltmp3, $4  }
0x1c2: {  	s19 =	simm.s32 $0x480;
	s30 =	simm.s32 $0x400  }
0x1c3: {  	s29 =	simm.s32 $0x580;
	s28 =	simm.s32 $0x500;
	s26 =	simm.s32 $0x680  }
0x1c4: {  	s25 =	simm.s32 $0x600;
	s24 =	simm.s32 $0x780;
	s23 =	simm.s32 $0x700  }
0x1c5: {  	s22 =	simm.s32 $0x880;
	s20 =	simm.s32 $0x800;
	s18 =	simm.s32 $0x900  }
.LBB2_3:
.Ltmp4:
0x1c6: {  	(pc) =	sbr.rel .LBB2_6-.Ltmp4, $4  }
0x1c7: {  	s19 =	simm.s32 $0x480;
	s30 =	simm.s32 $0x400;
	s29 =	simm.s32 $0x580  }
0x1c8: {  	s28 =	simm.s32 $0x500;
	s26 =	simm.s32 $0x680;
	s25 =	simm.s32 $0x600  }
0x1c9: {  	s24 =	simm.s32 $0x780;
	s23 =	simm.s32 $0x700;
	s22 =	simm.s32 $0x880  }
0x1ca: {  	s20 =	simm.s32 $0x800;
	s18 =	simm.s32 $0x900;
	s17 =	stileid.u32  }
.Lfunc_end2:
_tile_overlayer_lowered:
.L_overlay_start_2:
0x1cb: {  	(tag) =	ssettag $0x2  }
0x1cc: {  	s0 =	rddreg [dreg:$0x0];
	s2 =	stileid.u32  }
0x1cd: {  	s1 =	rddreg [dreg:$0x1];
	p0 =	sne.s32 s2, $0x0  }
0x1ce: {  	s3 =	rddreg [dreg:$0x2];
	[bflag:$0x3] =	sbarrier.arrive $0xFFFF;
	s2 =	simm.s32 @!p0 $0x1C07  }
0x1cf: {  	[timem:s3], [sflag:s2] =	dma.local @!p0 [hbm:s0], s1  }
0x1d0: {  	s0 =	simm.s32 @!p0 $0x7  }
0x1d1: {  	_ =	swait.ge @!p0 [sflag:s0], s1  }
0x1d2: {  	s1 =	ssub.s32 @!p0 $0x0, s1;
	[sflag:s0] =	ssyncset.done @!p0 $0x0  }
0x1d3: {  	[sflag:s0] =	ssyncadd.s32 @!p0 s1  }
0x1d4: {  	[bflag:$0x3] =	sbarrier.arrive $0xFFFF  }
0x1d5: {  	_ =	shalt  }

</sc_bundles>
